<compile_context>
chip_gen: v7x
topology: tpu7x:2x2x1
jax: 0.10.2.dev20260603
libtpu: 0.0.44.dev20260713+nightly
codegen_flags: <defaults>
</compile_context>

<pallas_src>
import functools

import jax
import jax.numpy as jnp
from jax import lax
from jax.experimental import pallas as pl
from jax.experimental.pallas import tpu as pltpu
from jax.experimental.pallas import tpu_sc as plsc

_NC, _NS = 2, 16
_NW = _NC * _NS
_L = 16


def kernel(x, perm):
    B, C, H, W = x.shape
    R = B * C
    rpw = R // _NW
    gpw = rpw // _L

    x3 = x.reshape(R, H, W)
    src = (jnp.arange(B, dtype=jnp.int32)[:, None] * C
           + perm.astype(jnp.int32)[None, :]).reshape(R)

    @functools.partial(
        pl.kernel,
        mesh=plsc.VectorSubcoreMesh(core_axis_name="c", subcore_axis_name="s"),
        out_type=jax.ShapeDtypeStruct((R, H, W), jnp.float32),
        scratch_types=[
            pltpu.VMEM((rpw,), jnp.int32),
            pltpu.VMEM_SHARED((_NS, 2, H, W), jnp.float32),
            pltpu.SemaphoreType.DMA,
            pltpu.SemaphoreType.DMA,
        ],
    )
    def sc_gather(x_hbm, src_hbm, out_hbm, idx_v, buf_v, sem0, sem1):
        sid = lax.axis_index("s")
        wid = sid * _NC + lax.axis_index("c")
        base = wid * rpw
        pltpu.sync_copy(src_hbm.at[pl.ds(base, rpw)], idx_v)
        sems = (sem0, sem1)

        c0 = idx_v[pl.ds(0, _L)]
        for b in range(2):
            pltpu.async_copy(x_hbm.at[c0[b]], buf_v.at[sid, b], sems[b])

        @pl.loop(0, gpw)
        def _groups(g):
            goff = g * _L
            chunk = idx_v[pl.ds(goff, _L)]
            noff = jnp.minimum(goff + _L, (gpw - 1) * _L)
            nchunk = idx_v[pl.ds(noff, _L)]
            for k in range(_L):
                b = k % 2
                row = goff + k
                pltpu.make_async_copy(
                    x_hbm.at[0], buf_v.at[sid, b], sems[b]).wait()
                pltpu.sync_copy(buf_v.at[sid, b], out_hbm.at[base + row])
                nxt = chunk[k + 2] if k + 2 < _L else nchunk[k + 2 - _L]

                @pl.when(row + 2 < rpw)
                def _issue_next():
                    pltpu.async_copy(x_hbm.at[nxt], buf_v.at[sid, b], sems[b])

    return sc_gather(x3, src).reshape(B, C, H, W)

# --- scband reference (transcript-rebuilt; emitter-appended) ---
"""Pipeline reference for scband-random-band-permutation-712964571761 (READ-ONLY COPY).

The authoritative reference and input builder live on the scoring server;
editing this copy changes nothing except your own understanding.
"""

import jax, jax.numpy as jnp
import numpy as np


def setup_inputs(seed: int = 0) -> dict:
    key = jax.random.key(seed)
    k1, k2 = jax.random.split(key)
    x = jax.random.normal(k1, (8, 192, 224, 224), dtype=jnp.float32)
    # prob=1.0 -> the permutation branch always fires; the random permutation
    # itself is materialized here (deterministically) as a side input so the
    # reference is reproducible.
    perm = jax.random.permutation(k2, 192)
    return {"x": x, "perm": perm}


def reference(x, perm):
    # torch: x.ndim == 4 -> return x[:, perm]  (permute the band/channel axis)
    return jnp.take(x, perm, axis=1)

if __name__ == "__main__":
    import jax
    _d = setup_inputs()
    print(jax.jit(kernel)(*tuple(_d.values())))

</pallas_src>

<mosaic_0001>
#map = affine_map<(d0, d1) -> (0, 0, 0)>
#map1 = affine_map<(d0, d1) -> (0)>
module attributes {stable_mosaic.version = 14 : i64} {
  func.func @sc_gather(%arg0: i32, %arg1: i32, %arg2: memref<1536x224x224xf32, #tpu.memory_space<hbm>>, %arg3: memref<1536xi32, #tpu.memory_space<hbm>>, %arg4: memref<1536x224x224xf32, #tpu.memory_space<hbm>>, %arg5: memref<48xi32, #tpu.memory_space<vmem>>, %arg6: memref<16x2x224x224xf32, #tpu.memory_space<vmem_shared>>, %arg7: memref<!tpu.dma_semaphore, #tpu.memory_space<semaphore_mem>>, %arg8: memref<!tpu.dma_semaphore, #tpu.memory_space<semaphore_mem>>) attributes {dimension_semantics = [#tpu.dimension_semantics<core_parallel>, #tpu.dimension_semantics<subcore_parallel>], iteration_bounds = array<i64: 2, 16>, scalar_prefetch = 0 : i64, scratch_operands = 4 : i64, tpu.core_type = #tpu.core_type<sc_vector_subcore>, window_params = [{transform_indices = #map}, {transform_indices = #map1}, {transform_indices = #map}]} {
    %mul3A = arith.constant 2 : i32
    %mul3A_0 = arith.muli %arg1, %mul3A : i32
    %add3A = arith.addi %mul3A_0, %arg0 : i32
    %mul3A_1 = arith.constant 48 : i32
    %mul3A_2 = arith.muli %add3A, %mul3A_1 : i32
    "tpu.region"() ({
      %run_scoped3A = tpu.sem_alloc : memref<!tpu.dma_semaphore, #tpu.memory_space<semaphore_mem>>
      %dma_start3A_28 = tpu.memref_slice %arg3[%mul3A_2] : memref<1536xi32, #tpu.memory_space<hbm>> -> memref<48xi32, #tpu.memory_space<hbm>>
      %dma_start3A_29 = tpu.memref_slice %arg3[%mul3A_2] : memref<1536xi32, #tpu.memory_space<hbm>> -> memref<48xi32, #tpu.memory_space<hbm>>
      tpu.enqueue_dma source(%dma_start3A_29 : memref<48xi32, #tpu.memory_space<hbm>>) target(%arg5 : memref<48xi32, #tpu.memory_space<vmem>>) target_semaphore(%run_scoped3A : memref<!tpu.dma_semaphore, #tpu.memory_space<semaphore_mem>>)
      %dma_wait3A = tpu.memref_slice %arg3[%mul3A_2] : memref<1536xi32, #tpu.memory_space<hbm>> -> memref<48xi32, #tpu.memory_space<hbm>>
      %dma_wait3A_30 = tpu.memref_slice %arg3[%mul3A_2] : memref<1536xi32, #tpu.memory_space<hbm>> -> memref<48xi32, #tpu.memory_space<hbm>>
      tpu.wait_dma2 semaphore(%run_scoped3A : memref<!tpu.dma_semaphore, #tpu.memory_space<semaphore_mem>>) src(%dma_wait3A_30 : memref<48xi32, #tpu.memory_space<hbm>>) dst(%arg5 : memref<48xi32, #tpu.memory_space<vmem>>)
      tpu.yield
    }) : () -> ()
    %get3A = arith.constant 0 : index
    %get3A_3 = tpu.vector_load %arg5[%get3A] {strides = array<i32>} : memref<48xi32, #tpu.memory_space<vmem>>, vector<16xi32>,
    %get3A_4 = vector.shape_cast %get3A_3 : vector<16xi32> to vector<16xi32>
    %slice3A = vector.extract_strided_slice %get3A_4 {offsets = [0], sizes = [1], strides = [1]} : vector<16xi32> to vector<1xi32>
    %squeeze3A = vector.extract %slice3A[0] : i32 from vector<1xi32>
    %dma_start3A = arith.constant 0 : i32
    %dma_start3A_5 = arith.constant 0 : i32
    %dma_start3A_6 = arith.constant 0 : i32
    %dma_start3A_7 = tpu.memref_slice %arg6[%arg1, %dma_start3A, %dma_start3A_5, %dma_start3A_6] : memref<16x2x224x224xf32, #tpu.memory_space<vmem_shared>> -> memref<1x1x224x224xf32, #tpu.memory_space<vmem_shared>>
    %dma_start3A_8 = tpu.memref_squeeze %dma_start3A_7 : memref<1x1x224x224xf32, #tpu.memory_space<vmem_shared>> -> memref<224x224xf32, #tpu.memory_space<vmem_shared>>
    %dma_start3A_9 = arith.constant 0 : i32
    %dma_start3A_10 = arith.constant 0 : i32
    %dma_start3A_11 = tpu.memref_slice %arg2[%squeeze3A, %dma_start3A_9, %dma_start3A_10] : memref<1536x224x224xf32, #tpu.memory_space<hbm>> -> memref<1x224x224xf32, #tpu.memory_space<hbm>>
    %dma_start3A_12 = tpu.memref_squeeze %dma_start3A_11 : memref<1x224x224xf32, #tpu.memory_space<hbm>> -> memref<224x224xf32, #tpu.memory_space<hbm>>
    tpu.enqueue_dma source(%dma_start3A_12 : memref<224x224xf32, #tpu.memory_space<hbm>>) target(%dma_start3A_8 : memref<224x224xf32, #tpu.memory_space<vmem_shared>>) target_semaphore(%arg7 : memref<!tpu.dma_semaphore, #tpu.memory_space<semaphore_mem>>)
    %slice3A_13 = vector.extract_strided_slice %get3A_4 {offsets = [1], sizes = [1], strides = [1]} : vector<16xi32> to vector<1xi32>
    %squeeze3A_14 = vector.extract %slice3A_13[0] : i32 from vector<1xi32>
    %dma_start3A_15 = arith.constant 1 : i32
    %dma_start3A_16 = arith.constant 0 : i32
    %dma_start3A_17 = arith.constant 0 : i32
    %dma_start3A_18 = tpu.memref_slice %arg6[%arg1, %dma_start3A_15, %dma_start3A_16, %dma_start3A_17] : memref<16x2x224x224xf32, #tpu.memory_space<vmem_shared>> -> memref<1x1x224x224xf32, #tpu.memory_space<vmem_shared>>
    %dma_start3A_19 = tpu.memref_squeeze %dma_start3A_18 : memref<1x1x224x224xf32, #tpu.memory_space<vmem_shared>> -> memref<224x224xf32, #tpu.memory_space<vmem_shared>>
    %dma_start3A_20 = arith.constant 0 : i32
    %dma_start3A_21 = arith.constant 0 : i32
    %dma_start3A_22 = tpu.memref_slice %arg2[%squeeze3A_14, %dma_start3A_20, %dma_start3A_21] : memref<1536x224x224xf32, #tpu.memory_space<hbm>> -> memref<1x224x224xf32, #tpu.memory_space<hbm>>
    %dma_start3A_23 = tpu.memref_squeeze %dma_start3A_22 : memref<1x224x224xf32, #tpu.memory_space<hbm>> -> memref<224x224xf32, #tpu.memory_space<hbm>>
    tpu.enqueue_dma source(%dma_start3A_23 : memref<224x224xf32, #tpu.memory_space<hbm>>) target(%dma_start3A_19 : memref<224x224xf32, #tpu.memory_space<vmem_shared>>) target_semaphore(%arg8 : memref<!tpu.dma_semaphore, #tpu.memory_space<semaphore_mem>>)
    %scan3A = arith.constant 0 : i32
    %scan3A_24 = arith.constant 3 : i32
    %scan3A_25 = arith.addi %scan3A, %scan3A_24 : i32
    %scan3A_26 = arith.constant 1 : i32
    scf.for %scan3A_28 = %scan3A to %scan3A_25 step %scan3A_26  : i32 {
      %mul3A_29 = arith.constant 1 : i32
      %mul3A_30 = arith.muli %scan3A_28, %mul3A_29 : i32
      %add3A_31 = arith.constant 0 : i32
      %add3A_32 = arith.addi %add3A_31, %mul3A_30 : i32
      %mul3A_33 = arith.constant 16 : i32
      %mul3A_34 = arith.muli %add3A_32, %mul3A_33 : i32
      %get3A_35 = arith.index_cast %mul3A_34 : i32 to index
      %get3A_36 = tpu.vector_load %arg5[%get3A_35] {strides = array<i32>} : memref<48xi32, #tpu.memory_space<vmem>>, vector<16xi32>,
      %get3A_37 = vector.shape_cast %get3A_36 : vector<16xi32> to vector<16xi32>
      %add3A_38 = arith.constant 16 : i32
      %add3A_39 = arith.addi %mul3A_34, %add3A_38 : i32
      %min3A = arith.constant 32 : i32
      %min3A_40 = arith.minsi %add3A_39, %min3A : i32
      %get3A_41 = arith.index_cast %min3A_40 : i32 to index
      %get3A_42 = tpu.vector_load %arg5[%get3A_41] {strides = array<i32>} : memref<48xi32, #tpu.memory_space<vmem>>, vector<16xi32>,
      %get3A_43 = vector.shape_cast %get3A_42 : vector<16xi32> to vector<16xi32>
      %add3A_44 = arith.constant 0 : i32
      %add3A_45 = arith.addi %mul3A_34, %add3A_44 : i32
      %dma_wait3A = arith.constant 0 : i32
      %dma_wait3A_46 = arith.constant 0 : i32
      %dma_wait3A_47 = arith.constant 0 : i32
      %dma_wait3A_48 = arith.constant 0 : i32
      %dma_wait3A_49 = tpu.memref_slice %arg6[%arg1, %dma_wait3A_46, %dma_wait3A_47, %dma_wait3A_48] : memref<16x2x224x224xf32, #tpu.memory_space<vmem_shared>> -> memref<1x1x224x224xf32, #tpu.memory_space<vmem_shared>>
      %dma_wait3A_50 = tpu.memref_squeeze %dma_wait3A_49 : memref<1x1x224x224xf32, #tpu.memory_space<vmem_shared>> -> memref<224x224xf32, #tpu.memory_space<vmem_shared>>
      %dma_wait3A_51 = arith.constant 0 : i32
      %dma_wait3A_52 = arith.constant 0 : i32
      %dma_wait3A_53 = tpu.memref_slice %arg2[%dma_wait3A, %dma_wait3A_51, %dma_wait3A_52] : memref<1536x224x224xf32, #tpu.memory_space<hbm>> -> memref<1x224x224xf32, #tpu.memory_space<hbm>>
      %dma_wait3A_54 = tpu.memref_squeeze %dma_wait3A_53 : memref<1x224x224xf32, #tpu.memory_space<hbm>> -> memref<224x224xf32, #tpu.memory_space<hbm>>
      tpu.wait_dma2 semaphore(%arg7 : memref<!tpu.dma_semaphore, #tpu.memory_space<semaphore_mem>>) src(%dma_wait3A_54 : memref<224x224xf32, #tpu.memory_space<hbm>>) dst(%dma_wait3A_50 : memref<224x224xf32, #tpu.memory_space<vmem_shared>>)
      %add3A_55 = arith.addi %mul3A_2, %add3A_45 : i32
      %run_scoped3A = arith.constant 0 : i32
      "tpu.region"() ({
        %run_scoped3A_407 = tpu.sem_alloc : memref<!tpu.dma_semaphore, #tpu.memory_space<semaphore_mem>>
        %dma_start3A_408 = arith.constant 0 : i32
        %dma_start3A_409 = arith.constant 0 : i32
        %dma_start3A_410 = tpu.memref_slice %arg4[%add3A_55, %dma_start3A_408, %dma_start3A_409] : memref<1536x224x224xf32, #tpu.memory_space<hbm>> -> memref<1x224x224xf32, #tpu.memory_space<hbm>>
        %dma_start3A_411 = tpu.memref_squeeze %dma_start3A_410 : memref<1x224x224xf32, #tpu.memory_space<hbm>> -> memref<224x224xf32, #tpu.memory_space<hbm>>
        %dma_start3A_412 = arith.constant 0 : i32
        %dma_start3A_413 = arith.constant 0 : i32
        %dma_start3A_414 = tpu.memref_slice %arg6[%arg1, %run_scoped3A, %dma_start3A_412, %dma_start3A_413] : memref<16x2x224x224xf32, #tpu.memory_space<vmem_shared>> -> memref<1x1x224x224xf32, #tpu.memory_space<vmem_shared>>
        %dma_start3A_415 = tpu.memref_squeeze %dma_start3A_414 : memref<1x1x224x224xf32, #tpu.memory_space<vmem_shared>> -> memref<224x224xf32, #tpu.memory_space<vmem_shared>>
        tpu.enqueue_dma source(%dma_start3A_415 : memref<224x224xf32, #tpu.memory_space<vmem_shared>>) target(%dma_start3A_411 : memref<224x224xf32, #tpu.memory_space<hbm>>) target_semaphore(%run_scoped3A_407 : memref<!tpu.dma_semaphore, #tpu.memory_space<semaphore_mem>>)
        %dma_wait3A_416 = arith.constant 0 : i32
        %dma_wait3A_417 = arith.constant 0 : i32
        %dma_wait3A_418 = tpu.memref_slice %arg4[%add3A_55, %dma_wait3A_416, %dma_wait3A_417] : memref<1536x224x224xf32, #tpu.memory_space<hbm>> -> memref<1x224x224xf32, #tpu.memory_space<hbm>>
        %dma_wait3A_419 = tpu.memref_squeeze %dma_wait3A_418 : memref<1x224x224xf32, #tpu.memory_space<hbm>> -> memref<224x224xf32, #tpu.memory_space<hbm>>
        %dma_wait3A_420 = arith.constant 0 : i32
        %dma_wait3A_421 = arith.constant 0 : i32
        %dma_wait3A_422 = tpu.memref_slice %arg6[%arg1, %run_scoped3A, %dma_wait3A_420, %dma_wait3A_421] : memref<16x2x224x224xf32, #tpu.memory_space<vmem_shared>> -> memref<1x1x224x224xf32, #tpu.memory_space<vmem_shared>>
        %dma_wait3A_423 = tpu.memref_squeeze %dma_wait3A_422 : memref<1x1x224x224xf32, #tpu.memory_space<vmem_shared>> -> memref<224x224xf32, #tpu.memory_space<vmem_shared>>
        tpu.wait_dma2 semaphore(%run_scoped3A_407 : memref<!tpu.dma_semaphore, #tpu.memory_space<semaphore_mem>>) src(%dma_wait3A_423 : memref<224x224xf32, #tpu.memory_space<vmem_shared>>) dst(%dma_wait3A_419 : memref<224x224xf32, #tpu.memory_space<hbm>>)
        tpu.yield
      }) : () -> ()
      %slice3A_56 = vector.extract_strided_slice %get3A_37 {offsets = [2], sizes = [1], strides = [1]} : vector<16xi32> to vector<1xi32>
      %squeeze3A_57 = vector.extract %slice3A_56[0] : i32 from vector<1xi32>
      %add3A_58 = arith.constant 2 : i32
      %add3A_59 = arith.addi %add3A_45, %add3A_58 : i32
      %lt3A = arith.constant 48 : i32
      %lt3A_60 = arith.cmpi slt, %add3A_59, %lt3A : i32
      %convert_element_type3A = arith.extui %lt3A_60 : i1 to i32
      %cond3A = arith.constant 0 : i32
      %cond3A_61 = arith.cmpi ne, %convert_element_type3A, %cond3A : i32
      scf.if %cond3A_61 {
        %dma_start3A_407 = arith.constant 0 : i32
        %dma_start3A_408 = arith.constant 0 : i32
        %dma_start3A_409 = arith.constant 0 : i32
        %dma_start3A_410 = tpu.memref_slice %arg6[%arg1, %dma_start3A_407, %dma_start3A_408, %dma_start3A_409] : memref<16x2x224x224xf32, #tpu.memory_space<vmem_shared>> -> memref<1x1x224x224xf32, #tpu.memory_space<vmem_shared>>
        %dma_start3A_411 = tpu.memref_squeeze %dma_start3A_410 : memref<1x1x224x224xf32, #tpu.memory_space<vmem_shared>> -> memref<224x224xf32, #tpu.memory_space<vmem_shared>>
        %dma_start3A_412 = arith.constant 0 : i32
        %dma_start3A_413 = arith.constant 0 : i32
        %dma_start3A_414 = tpu.memref_slice %arg2[%squeeze3A_57, %dma_start3A_412, %dma_start3A_413] : memref<1536x224x224xf32, #tpu.memory_space<hbm>> -> memref<1x224x224xf32, #tpu.memory_space<hbm>>
        %dma_start3A_415 = tpu.memref_squeeze %dma_start3A_414 : memref<1x224x224xf32, #tpu.memory_space<hbm>> -> memref<224x224xf32, #tpu.memory_space<hbm>>
        tpu.enqueue_dma source(%dma_start3A_415 : memref<224x224xf32, #tpu.memory_space<hbm>>) target(%dma_start3A_411 : memref<224x224xf32, #tpu.memory_space<vmem_shared>>) target_semaphore(%arg7 : memref<!tpu.dma_semaphore, #tpu.memory_space<semaphore_mem>>)
      } else {
      }
      %add3A_62 = arith.constant 1 : i32
      %add3A_63 = arith.addi %mul3A_34, %add3A_62 : i32
      %dma_wait3A_64 = arith.constant 0 : i32
      %dma_wait3A_65 = arith.constant 1 : i32
      %dma_wait3A_66 = arith.constant 0 : i32
      %dma_wait3A_67 = arith.constant 0 : i32
      %dma_wait3A_68 = tpu.memref_slice %arg6[%arg1, %dma_wait3A_65, %dma_wait3A_66, %dma_wait3A_67] : memref<16x2x224x224xf32, #tpu.memory_space<vmem_shared>> -> memref<1x1x224x224xf32, #tpu.memory_space<vmem_shared>>
      %dma_wait3A_69 = tpu.memref_squeeze %dma_wait3A_68 : memref<1x1x224x224xf32, #tpu.memory_space<vmem_shared>> -> memref<224x224xf32, #tpu.memory_space<vmem_shared>>
      %dma_wait3A_70 = arith.constant 0 : i32
      %dma_wait3A_71 = arith.constant 0 : i32
      %dma_wait3A_72 = tpu.memref_slice %arg2[%dma_wait3A_64, %dma_wait3A_70, %dma_wait3A_71] : memref<1536x224x224xf32, #tpu.memory_space<hbm>> -> memref<1x224x224xf32, #tpu.memory_space<hbm>>
      %dma_wait3A_73 = tpu.memref_squeeze %dma_wait3A_72 : memref<1x224x224xf32, #tpu.memory_space<hbm>> -> memref<224x224xf32, #tpu.memory_space<hbm>>
      tpu.wait_dma2 semaphore(%arg8 : memref<!tpu.dma_semaphore, #tpu.memory_space<semaphore_mem>>) src(%dma_wait3A_73 : memref<224x224xf32, #tpu.memory_space<hbm>>) dst(%dma_wait3A_69 : memref<224x224xf32, #tpu.memory_space<vmem_shared>>)
      %add3A_74 = arith.addi %mul3A_2, %add3A_63 : i32
      %run_scoped3A_75 = arith.constant 1 : i32
      "tpu.region"() ({
        %run_scoped3A_407 = tpu.sem_alloc : memref<!tpu.dma_semaphore, #tpu.memory_space<semaphore_mem>>
        %dma_start3A_408 = arith.constant 0 : i32
        %dma_start3A_409 = arith.constant 0 : i32
        %dma_start3A_410 = tpu.memref_slice %arg4[%add3A_74, %dma_start3A_408, %dma_start3A_409] : memref<1536x224x224xf32, #tpu.memory_space<hbm>> -> memref<1x224x224xf32, #tpu.memory_space<hbm>>
        %dma_start3A_411 = tpu.memref_squeeze %dma_start3A_410 : memref<1x224x224xf32, #tpu.memory_space<hbm>> -> memref<224x224xf32, #tpu.memory_space<hbm>>
        %dma_start3A_412 = arith.constant 0 : i32
        %dma_start3A_413 = arith.constant 0 : i32
        %dma_start3A_414 = tpu.memref_slice %arg6[%arg1, %run_scoped3A_75, %dma_start3A_412, %dma_start3A_413] : memref<16x2x224x224xf32, #tpu.memory_space<vmem_shared>> -> memref<1x1x224x224xf32, #tpu.memory_space<vmem_shared>>
        %dma_start3A_415 = tpu.memref_squeeze %dma_start3A_414 : memref<1x1x224x224xf32, #tpu.memory_space<vmem_shared>> -> memref<224x224xf32, #tpu.memory_space<vmem_shared>>
        tpu.enqueue_dma source(%dma_start3A_415 : memref<224x224xf32, #tpu.memory_space<vmem_shared>>) target(%dma_start3A_411 : memref<224x224xf32, #tpu.memory_space<hbm>>) target_semaphore(%run_scoped3A_407 : memref<!tpu.dma_semaphore, #tpu.memory_space<semaphore_mem>>)
        %dma_wait3A_416 = arith.constant 0 : i32
        %dma_wait3A_417 = arith.constant 0 : i32
        %dma_wait3A_418 = tpu.memref_slice %arg4[%add3A_74, %dma_wait3A_416, %dma_wait3A_417] : memref<1536x224x224xf32, #tpu.memory_space<hbm>> -> memref<1x224x224xf32, #tpu.memory_space<hbm>>
        %dma_wait3A_419 = tpu.memref_squeeze %dma_wait3A_418 : memref<1x224x224xf32, #tpu.memory_space<hbm>> -> memref<224x224xf32, #tpu.memory_space<hbm>>
        %dma_wait3A_420 = arith.constant 0 : i32
        %dma_wait3A_421 = arith.constant 0 : i32
        %dma_wait3A_422 = tpu.memref_slice %arg6[%arg1, %run_scoped3A_75, %dma_wait3A_420, %dma_wait3A_421] : memref<16x2x224x224xf32, #tpu.memory_space<vmem_shared>> -> memref<1x1x224x224xf32, #tpu.memory_space<vmem_shared>>
        %dma_wait3A_423 = tpu.memref_squeeze %dma_wait3A_422 : memref<1x1x224x224xf32, #tpu.memory_space<vmem_shared>> -> memref<224x224xf32, #tpu.memory_space<vmem_shared>>
        tpu.wait_dma2 semaphore(%run_scoped3A_407 : memref<!tpu.dma_semaphore, #tpu.memory_space<semaphore_mem>>) src(%dma_wait3A_423 : memref<224x224xf32, #tpu.memory_space<vmem_shared>>) dst(%dma_wait3A_419 : memref<224x224xf32, #tpu.memory_space<hbm>>)
        tpu.yield
      }) : () -> ()
      %slice3A_76 = vector.extract_strided_slice %get3A_37 {offsets = [3], sizes = [1], strides = [1]} : vector<16xi32> to vector<1xi32>
      %squeeze3A_77 = vector.extract %slice3A_76[0] : i32 from vector<1xi32>
      %add3A_78 = arith.constant 2 : i32
      %add3A_79 = arith.addi %add3A_63, %add3A_78 : i32
      %lt3A_80 = arith.constant 48 : i32
      %lt3A_81 = arith.cmpi slt, %add3A_79, %lt3A_80 : i32
      %convert_element_type3A_82 = arith.extui %lt3A_81 : i1 to i32
      %cond3A_83 = arith.constant 0 : i32
      %cond3A_84 = arith.cmpi ne, %convert_element_type3A_82, %cond3A_83 : i32
      scf.if %cond3A_84 {
        %dma_start3A_407 = arith.constant 1 : i32
        %dma_start3A_408 = arith.constant 0 : i32
        %dma_start3A_409 = arith.constant 0 : i32
        %dma_start3A_410 = tpu.memref_slice %arg6[%arg1, %dma_start3A_407, %dma_start3A_408, %dma_start3A_409] : memref<16x2x224x224xf32, #tpu.memory_space<vmem_shared>> -> memref<1x1x224x224xf32, #tpu.memory_space<vmem_shared>>
        %dma_start3A_411 = tpu.memref_squeeze %dma_start3A_410 : memref<1x1x224x224xf32, #tpu.memory_space<vmem_shared>> -> memref<224x224xf32, #tpu.memory_space<vmem_shared>>
        %dma_start3A_412 = arith.constant 0 : i32
        %dma_start3A_413 = arith.constant 0 : i32
        %dma_start3A_414 = tpu.memref_slice %arg2[%squeeze3A_77, %dma_start3A_412, %dma_start3A_413] : memref<1536x224x224xf32, #tpu.memory_space<hbm>> -> memref<1x224x224xf32, #tpu.memory_space<hbm>>
        %dma_start3A_415 = tpu.memref_squeeze %dma_start3A_414 : memref<1x224x224xf32, #tpu.memory_space<hbm>> -> memref<224x224xf32, #tpu.memory_space<hbm>>
        tpu.enqueue_dma source(%dma_start3A_415 : memref<224x224xf32, #tpu.memory_space<hbm>>) target(%dma_start3A_411 : memref<224x224xf32, #tpu.memory_space<vmem_shared>>) target_semaphore(%arg8 : memref<!tpu.dma_semaphore, #tpu.memory_space<semaphore_mem>>)
      } else {
      }
      %add3A_85 = arith.constant 2 : i32
      %add3A_86 = arith.addi %mul3A_34, %add3A_85 : i32
      %dma_wait3A_87 = arith.constant 0 : i32
      %dma_wait3A_88 = arith.constant 0 : i32
      %dma_wait3A_89 = arith.constant 0 : i32
      %dma_wait3A_90 = arith.constant 0 : i32
      %dma_wait3A_91 = tpu.memref_slice %arg6[%arg1, %dma_wait3A_88, %dma_wait3A_89, %dma_wait3A_90] : memref<16x2x224x224xf32, #tpu.memory_space<vmem_shared>> -> memref<1x1x224x224xf32, #tpu.memory_space<vmem_shared>>
      %dma_wait3A_92 = tpu.memref_squeeze %dma_wait3A_91 : memref<1x1x224x224xf32, #tpu.memory_space<vmem_shared>> -> memref<224x224xf32, #tpu.memory_space<vmem_shared>>
      %dma_wait3A_93 = arith.constant 0 : i32
      %dma_wait3A_94 = arith.constant 0 : i32
      %dma_wait3A_95 = tpu.memref_slice %arg2[%dma_wait3A_87, %dma_wait3A_93, %dma_wait3A_94] : memref<1536x224x224xf32, #tpu.memory_space<hbm>> -> memref<1x224x224xf32, #tpu.memory_space<hbm>>
      %dma_wait3A_96 = tpu.memref_squeeze %dma_wait3A_95 : memref<1x224x224xf32, #tpu.memory_space<hbm>> -> memref<224x224xf32, #tpu.memory_space<hbm>>
      tpu.wait_dma2 semaphore(%arg7 : memref<!tpu.dma_semaphore, #tpu.memory_space<semaphore_mem>>) src(%dma_wait3A_96 : memref<224x224xf32, #tpu.memory_space<hbm>>) dst(%dma_wait3A_92 : memref<224x224xf32, #tpu.memory_space<vmem_shared>>)
      %add3A_97 = arith.addi %mul3A_2, %add3A_86 : i32
      %run_scoped3A_98 = arith.constant 0 : i32
      "tpu.region"() ({
        %run_scoped3A_407 = tpu.sem_alloc : memref<!tpu.dma_semaphore, #tpu.memory_space<semaphore_mem>>
        %dma_start3A_408 = arith.constant 0 : i32
        %dma_start3A_409 = arith.constant 0 : i32
        %dma_start3A_410 = tpu.memref_slice %arg4[%add3A_97, %dma_start3A_408, %dma_start3A_409] : memref<1536x224x224xf32, #tpu.memory_space<hbm>> -> memref<1x224x224xf32, #tpu.memory_space<hbm>>
        %dma_start3A_411 = tpu.memref_squeeze %dma_start3A_410 : memref<1x224x224xf32, #tpu.memory_space<hbm>> -> memref<224x224xf32, #tpu.memory_space<hbm>>
        %dma_start3A_412 = arith.constant 0 : i32
        %dma_start3A_413 = arith.constant 0 : i32
        %dma_start3A_414 = tpu.memref_slice %arg6[%arg1, %run_scoped3A_98, %dma_start3A_412, %dma_start3A_413] : memref<16x2x224x224xf32, #tpu.memory_space<vmem_shared>> -> memref<1x1x224x224xf32, #tpu.memory_space<vmem_shared>>
        %dma_start3A_415 = tpu.memref_squeeze %dma_start3A_414 : memref<1x1x224x224xf32, #tpu.memory_space<vmem_shared>> -> memref<224x224xf32, #tpu.memory_space<vmem_shared>>
        tpu.enqueue_dma source(%dma_start3A_415 : memref<224x224xf32, #tpu.memory_space<vmem_shared>>) target(%dma_start3A_411 : memref<224x224xf32, #tpu.memory_space<hbm>>) target_semaphore(%run_scoped3A_407 : memref<!tpu.dma_semaphore, #tpu.memory_space<semaphore_mem>>)
        %dma_wait3A_416 = arith.constant 0 : i32
        %dma_wait3A_417 = arith.constant 0 : i32
        %dma_wait3A_418 = tpu.memref_slice %arg4[%add3A_97, %dma_wait3A_416, %dma_wait3A_417] : memref<1536x224x224xf32, #tpu.memory_space<hbm>> -> memref<1x224x224xf32, #tpu.memory_space<hbm>>
        %dma_wait3A_419 = tpu.memref_squeeze %dma_wait3A_418 : memref<1x224x224xf32, #tpu.memory_space<hbm>> -> memref<224x224xf32, #tpu.memory_space<hbm>>
        %dma_wait3A_420 = arith.constant 0 : i32
        %dma_wait3A_421 = arith.constant 0 : i32
        %dma_wait3A_422 = tpu.memref_slice %arg6[%arg1, %run_scoped3A_98, %dma_wait3A_420, %dma_wait3A_421] : memref<16x2x224x224xf32, #tpu.memory_space<vmem_shared>> -> memref<1x1x224x224xf32, #tpu.memory_space<vmem_shared>>
        %dma_wait3A_423 = tpu.memref_squeeze %dma_wait3A_422 : memref<1x1x224x224xf32, #tpu.memory_space<vmem_shared>> -> memref<224x224xf32, #tpu.memory_space<vmem_shared>>
        tpu.wait_dma2 semaphore(%run_scoped3A_407 : memref<!tpu.dma_semaphore, #tpu.memory_space<semaphore_mem>>) src(%dma_wait3A_423 : memref<224x224xf32, #tpu.memory_space<vmem_shared>>) dst(%dma_wait3A_419 : memref<224x224xf32, #tpu.memory_space<hbm>>)
        tpu.yield
      }) : () -> ()
      %slice3A_99 = vector.extract_strided_slice %get3A_37 {offsets = [4], sizes = [1], strides = [1]} : vector<16xi32> to vector<1xi32>
      %squeeze3A_100 = vector.extract %slice3A_99[0] : i32 from vector<1xi32>
      %add3A_101 = arith.constant 2 : i32
      %add3A_102 = arith.addi %add3A_86, %add3A_101 : i32
      %lt3A_103 = arith.constant 48 : i32
      %lt3A_104 = arith.cmpi slt, %add3A_102, %lt3A_103 : i32
      %convert_element_type3A_105 = arith.extui %lt3A_104 : i1 to i32
      %cond3A_106 = arith.constant 0 : i32
      %cond3A_107 = arith.cmpi ne, %convert_element_type3A_105, %cond3A_106 : i32
      scf.if %cond3A_107 {
        %dma_start3A_407 = arith.constant 0 : i32
        %dma_start3A_408 = arith.constant 0 : i32
        %dma_start3A_409 = arith.constant 0 : i32
        %dma_start3A_410 = tpu.memref_slice %arg6[%arg1, %dma_start3A_407, %dma_start3A_408, %dma_start3A_409] : memref<16x2x224x224xf32, #tpu.memory_space<vmem_shared>> -> memref<1x1x224x224xf32, #tpu.memory_space<vmem_shared>>
        %dma_start3A_411 = tpu.memref_squeeze %dma_start3A_410 : memref<1x1x224x224xf32, #tpu.memory_space<vmem_shared>> -> memref<224x224xf32, #tpu.memory_space<vmem_shared>>
        %dma_start3A_412 = arith.constant 0 : i32
        %dma_start3A_413 = arith.constant 0 : i32
        %dma_start3A_414 = tpu.memref_slice %arg2[%squeeze3A_100, %dma_start3A_412, %dma_start3A_413] : memref<1536x224x224xf32, #tpu.memory_space<hbm>> -> memref<1x224x224xf32, #tpu.memory_space<hbm>>
        %dma_start3A_415 = tpu.memref_squeeze %dma_start3A_414 : memref<1x224x224xf32, #tpu.memory_space<hbm>> -> memref<224x224xf32, #tpu.memory_space<hbm>>
        tpu.enqueue_dma source(%dma_start3A_415 : memref<224x224xf32, #tpu.memory_space<hbm>>) target(%dma_start3A_411 : memref<224x224xf32, #tpu.memory_space<vmem_shared>>) target_semaphore(%arg7 : memref<!tpu.dma_semaphore, #tpu.memory_space<semaphore_mem>>)
      } else {
      }
      %add3A_108 = arith.constant 3 : i32
      %add3A_109 = arith.addi %mul3A_34, %add3A_108 : i32
      %dma_wait3A_110 = arith.constant 0 : i32
      %dma_wait3A_111 = arith.constant 1 : i32
      %dma_wait3A_112 = arith.constant 0 : i32
      %dma_wait3A_113 = arith.constant 0 : i32
      %dma_wait3A_114 = tpu.memref_slice %arg6[%arg1, %dma_wait3A_111, %dma_wait3A_112, %dma_wait3A_113] : memref<16x2x224x224xf32, #tpu.memory_space<vmem_shared>> -> memref<1x1x224x224xf32, #tpu.memory_space<vmem_shared>>
      %dma_wait3A_115 = tpu.memref_squeeze %dma_wait3A_114 : memref<1x1x224x224xf32, #tpu.memory_space<vmem_shared>> -> memref<224x224xf32, #tpu.memory_space<vmem_shared>>
      %dma_wait3A_116 = arith.constant 0 : i32
      %dma_wait3A_117 = arith.constant 0 : i32
      %dma_wait3A_118 = tpu.memref_slice %arg2[%dma_wait3A_110, %dma_wait3A_116, %dma_wait3A_117] : memref<1536x224x224xf32, #tpu.memory_space<hbm>> -> memref<1x224x224xf32, #tpu.memory_space<hbm>>
      %dma_wait3A_119 = tpu.memref_squeeze %dma_wait3A_118 : memref<1x224x224xf32, #tpu.memory_space<hbm>> -> memref<224x224xf32, #tpu.memory_space<hbm>>
      tpu.wait_dma2 semaphore(%arg8 : memref<!tpu.dma_semaphore, #tpu.memory_space<semaphore_mem>>) src(%dma_wait3A_119 : memref<224x224xf32, #tpu.memory_space<hbm>>) dst(%dma_wait3A_115 : memref<224x224xf32, #tpu.memory_space<vmem_shared>>)
      %add3A_120 = arith.addi %mul3A_2, %add3A_109 : i32
      %run_scoped3A_121 = arith.constant 1 : i32
      "tpu.region"() ({
        %run_scoped3A_407 = tpu.sem_alloc : memref<!tpu.dma_semaphore, #tpu.memory_space<semaphore_mem>>
        %dma_start3A_408 = arith.constant 0 : i32
        %dma_start3A_409 = arith.constant 0 : i32
        %dma_start3A_410 = tpu.memref_slice %arg4[%add3A_120, %dma_start3A_408, %dma_start3A_409] : memref<1536x224x224xf32, #tpu.memory_space<hbm>> -> memref<1x224x224xf32, #tpu.memory_space<hbm>>
        %dma_start3A_411 = tpu.memref_squeeze %dma_start3A_410 : memref<1x224x224xf32, #tpu.memory_space<hbm>> -> memref<224x224xf32, #tpu.memory_space<hbm>>
        %dma_start3A_412 = arith.constant 0 : i32
        %dma_start3A_413 = arith.constant 0 : i32
        %dma_start3A_414 = tpu.memref_slice %arg6[%arg1, %run_scoped3A_121, %dma_start3A_412, %dma_start3A_413] : memref<16x2x224x224xf32, #tpu.memory_space<vmem_shared>> -> memref<1x1x224x224xf32, #tpu.memory_space<vmem_shared>>
        %dma_start3A_415 = tpu.memref_squeeze %dma_start3A_414 : memref<1x1x224x224xf32, #tpu.memory_space<vmem_shared>> -> memref<224x224xf32, #tpu.memory_space<vmem_shared>>
        tpu.enqueue_dma source(%dma_start3A_415 : memref<224x224xf32, #tpu.memory_space<vmem_shared>>) target(%dma_start3A_411 : memref<224x224xf32, #tpu.memory_space<hbm>>) target_semaphore(%run_scoped3A_407 : memref<!tpu.dma_semaphore, #tpu.memory_space<semaphore_mem>>)
        %dma_wait3A_416 = arith.constant 0 : i32
        %dma_wait3A_417 = arith.constant 0 : i32
        %dma_wait3A_418 = tpu.memref_slice %arg4[%add3A_120, %dma_wait3A_416, %dma_wait3A_417] : memref<1536x224x224xf32, #tpu.memory_space<hbm>> -> memref<1x224x224xf32, #tpu.memory_space<hbm>>
        %dma_wait3A_419 = tpu.memref_squeeze %dma_wait3A_418 : memref<1x224x224xf32, #tpu.memory_space<hbm>> -> memref<224x224xf32, #tpu.memory_space<hbm>>
        %dma_wait3A_420 = arith.constant 0 : i32
        %dma_wait3A_421 = arith.constant 0 : i32
        %dma_wait3A_422 = tpu.memref_slice %arg6[%arg1, %run_scoped3A_121, %dma_wait3A_420, %dma_wait3A_421] : memref<16x2x224x224xf32, #tpu.memory_space<vmem_shared>> -> memref<1x1x224x224xf32, #tpu.memory_space<vmem_shared>>
        %dma_wait3A_423 = tpu.memref_squeeze %dma_wait3A_422 : memref<1x1x224x224xf32, #tpu.memory_space<vmem_shared>> -> memref<224x224xf32, #tpu.memory_space<vmem_shared>>
        tpu.wait_dma2 semaphore(%run_scoped3A_407 : memref<!tpu.dma_semaphore, #tpu.memory_space<semaphore_mem>>) src(%dma_wait3A_423 : memref<224x224xf32, #tpu.memory_space<vmem_shared>>) dst(%dma_wait3A_419 : memref<224x224xf32, #tpu.memory_space<hbm>>)
        tpu.yield
      }) : () -> ()
      %slice3A_122 = vector.extract_strided_slice %get3A_37 {offsets = [5], sizes = [1], strides = [1]} : vector<16xi32> to vector<1xi32>
      %squeeze3A_123 = vector.extract %slice3A_122[0] : i32 from vector<1xi32>
      %add3A_124 = arith.constant 2 : i32
      %add3A_125 = arith.addi %add3A_109, %add3A_124 : i32
      %lt3A_126 = arith.constant 48 : i32
      %lt3A_127 = arith.cmpi slt, %add3A_125, %lt3A_126 : i32
      %convert_element_type3A_128 = arith.extui %lt3A_127 : i1 to i32
      %cond3A_129 = arith.constant 0 : i32
      %cond3A_130 = arith.cmpi ne, %convert_element_type3A_128, %cond3A_129 : i32
      scf.if %cond3A_130 {
        %dma_start3A_407 = arith.constant 1 : i32
        %dma_start3A_408 = arith.constant 0 : i32
        %dma_start3A_409 = arith.constant 0 : i32
        %dma_start3A_410 = tpu.memref_slice %arg6[%arg1, %dma_start3A_407, %dma_start3A_408, %dma_start3A_409] : memref<16x2x224x224xf32, #tpu.memory_space<vmem_shared>> -> memref<1x1x224x224xf32, #tpu.memory_space<vmem_shared>>
        %dma_start3A_411 = tpu.memref_squeeze %dma_start3A_410 : memref<1x1x224x224xf32, #tpu.memory_space<vmem_shared>> -> memref<224x224xf32, #tpu.memory_space<vmem_shared>>
        %dma_start3A_412 = arith.constant 0 : i32
        %dma_start3A_413 = arith.constant 0 : i32
        %dma_start3A_414 = tpu.memref_slice %arg2[%squeeze3A_123, %dma_start3A_412, %dma_start3A_413] : memref<1536x224x224xf32, #tpu.memory_space<hbm>> -> memref<1x224x224xf32, #tpu.memory_space<hbm>>
        %dma_start3A_415 = tpu.memref_squeeze %dma_start3A_414 : memref<1x224x224xf32, #tpu.memory_space<hbm>> -> memref<224x224xf32, #tpu.memory_space<hbm>>
        tpu.enqueue_dma source(%dma_start3A_415 : memref<224x224xf32, #tpu.memory_space<hbm>>) target(%dma_start3A_411 : memref<224x224xf32, #tpu.memory_space<vmem_shared>>) target_semaphore(%arg8 : memref<!tpu.dma_semaphore, #tpu.memory_space<semaphore_mem>>)
      } else {
      }
      %add3A_131 = arith.constant 4 : i32
      %add3A_132 = arith.addi %mul3A_34, %add3A_131 : i32
      %dma_wait3A_133 = arith.constant 0 : i32
      %dma_wait3A_134 = arith.constant 0 : i32
      %dma_wait3A_135 = arith.constant 0 : i32
      %dma_wait3A_136 = arith.constant 0 : i32
      %dma_wait3A_137 = tpu.memref_slice %arg6[%arg1, %dma_wait3A_134, %dma_wait3A_135, %dma_wait3A_136] : memref<16x2x224x224xf32, #tpu.memory_space<vmem_shared>> -> memref<1x1x224x224xf32, #tpu.memory_space<vmem_shared>>
      %dma_wait3A_138 = tpu.memref_squeeze %dma_wait3A_137 : memref<1x1x224x224xf32, #tpu.memory_space<vmem_shared>> -> memref<224x224xf32, #tpu.memory_space<vmem_shared>>
      %dma_wait3A_139 = arith.constant 0 : i32
      %dma_wait3A_140 = arith.constant 0 : i32
      %dma_wait3A_141 = tpu.memref_slice %arg2[%dma_wait3A_133, %dma_wait3A_139, %dma_wait3A_140] : memref<1536x224x224xf32, #tpu.memory_space<hbm>> -> memref<1x224x224xf32, #tpu.memory_space<hbm>>
      %dma_wait3A_142 = tpu.memref_squeeze %dma_wait3A_141 : memref<1x224x224xf32, #tpu.memory_space<hbm>> -> memref<224x224xf32, #tpu.memory_space<hbm>>
      tpu.wait_dma2 semaphore(%arg7 : memref<!tpu.dma_semaphore, #tpu.memory_space<semaphore_mem>>) src(%dma_wait3A_142 : memref<224x224xf32, #tpu.memory_space<hbm>>) dst(%dma_wait3A_138 : memref<224x224xf32, #tpu.memory_space<vmem_shared>>)
      %add3A_143 = arith.addi %mul3A_2, %add3A_132 : i32
      %run_scoped3A_144 = arith.constant 0 : i32
      "tpu.region"() ({
        %run_scoped3A_407 = tpu.sem_alloc : memref<!tpu.dma_semaphore, #tpu.memory_space<semaphore_mem>>
        %dma_start3A_408 = arith.constant 0 : i32
        %dma_start3A_409 = arith.constant 0 : i32
        %dma_start3A_410 = tpu.memref_slice %arg4[%add3A_143, %dma_start3A_408, %dma_start3A_409] : memref<1536x224x224xf32, #tpu.memory_space<hbm>> -> memref<1x224x224xf32, #tpu.memory_space<hbm>>
        %dma_start3A_411 = tpu.memref_squeeze %dma_start3A_410 : memref<1x224x224xf32, #tpu.memory_space<hbm>> -> memref<224x224xf32, #tpu.memory_space<hbm>>
        %dma_start3A_412 = arith.constant 0 : i32
        %dma_start3A_413 = arith.constant 0 : i32
        %dma_start3A_414 = tpu.memref_slice %arg6[%arg1, %run_scoped3A_144, %dma_start3A_412, %dma_start3A_413] : memref<16x2x224x224xf32, #tpu.memory_space<vmem_shared>> -> memref<1x1x224x224xf32, #tpu.memory_space<vmem_shared>>
        %dma_start3A_415 = tpu.memref_squeeze %dma_start3A_414 : memref<1x1x224x224xf32, #tpu.memory_space<vmem_shared>> -> memref<224x224xf32, #tpu.memory_space<vmem_shared>>
        tpu.enqueue_dma source(%dma_start3A_415 : memref<224x224xf32, #tpu.memory_space<vmem_shared>>) target(%dma_start3A_411 : memref<224x224xf32, #tpu.memory_space<hbm>>) target_semaphore(%run_scoped3A_407 : memref<!tpu.dma_semaphore, #tpu.memory_space<semaphore_mem>>)
        %dma_wait3A_416 = arith.constant 0 : i32
        %dma_wait3A_417 = arith.constant 0 : i32
        %dma_wait3A_418 = tpu.memref_slice %arg4[%add3A_143, %dma_wait3A_416, %dma_wait3A_417] : memref<1536x224x224xf32, #tpu.memory_space<hbm>> -> memref<1x224x224xf32, #tpu.memory_space<hbm>>
        %dma_wait3A_419 = tpu.memref_squeeze %dma_wait3A_418 : memref<1x224x224xf32, #tpu.memory_space<hbm>> -> memref<224x224xf32, #tpu.memory_space<hbm>>
        %dma_wait3A_420 = arith.constant 0 : i32
        %dma_wait3A_421 = arith.constant 0 : i32
        %dma_wait3A_422 = tpu.memref_slice %arg6[%arg1, %run_scoped3A_144, %dma_wait3A_420, %dma_wait3A_421] : memref<16x2x224x224xf32, #tpu.memory_space<vmem_shared>> -> memref<1x1x224x224xf32, #tpu.memory_space<vmem_shared>>
        %dma_wait3A_423 = tpu.memref_squeeze %dma_wait3A_422 : memref<1x1x224x224xf32, #tpu.memory_space<vmem_shared>> -> memref<224x224xf32, #tpu.memory_space<vmem_shared>>
        tpu.wait_dma2 semaphore(%run_scoped3A_407 : memref<!tpu.dma_semaphore, #tpu.memory_space<semaphore_mem>>) src(%dma_wait3A_423 : memref<224x224xf32, #tpu.memory_space<vmem_shared>>) dst(%dma_wait3A_419 : memref<224x224xf32, #tpu.memory_space<hbm>>)
        tpu.yield
      }) : () -> ()
      %slice3A_145 = vector.extract_strided_slice %get3A_37 {offsets = [6], sizes = [1], strides = [1]} : vector<16xi32> to vector<1xi32>
      %squeeze3A_146 = vector.extract %slice3A_145[0] : i32 from vector<1xi32>
      %add3A_147 = arith.constant 2 : i32
      %add3A_148 = arith.addi %add3A_132, %add3A_147 : i32
      %lt3A_149 = arith.constant 48 : i32
      %lt3A_150 = arith.cmpi slt, %add3A_148, %lt3A_149 : i32
      %convert_element_type3A_151 = arith.extui %lt3A_150 : i1 to i32
      %cond3A_152 = arith.constant 0 : i32
      %cond3A_153 = arith.cmpi ne, %convert_element_type3A_151, %cond3A_152 : i32
      scf.if %cond3A_153 {
        %dma_start3A_407 = arith.constant 0 : i32
        %dma_start3A_408 = arith.constant 0 : i32
        %dma_start3A_409 = arith.constant 0 : i32
        %dma_start3A_410 = tpu.memref_slice %arg6[%arg1, %dma_start3A_407, %dma_start3A_408, %dma_start3A_409] : memref<16x2x224x224xf32, #tpu.memory_space<vmem_shared>> -> memref<1x1x224x224xf32, #tpu.memory_space<vmem_shared>>
        %dma_start3A_411 = tpu.memref_squeeze %dma_start3A_410 : memref<1x1x224x224xf32, #tpu.memory_space<vmem_shared>> -> memref<224x224xf32, #tpu.memory_space<vmem_shared>>
        %dma_start3A_412 = arith.constant 0 : i32
        %dma_start3A_413 = arith.constant 0 : i32
        %dma_start3A_414 = tpu.memref_slice %arg2[%squeeze3A_146, %dma_start3A_412, %dma_start3A_413] : memref<1536x224x224xf32, #tpu.memory_space<hbm>> -> memref<1x224x224xf32, #tpu.memory_space<hbm>>
        %dma_start3A_415 = tpu.memref_squeeze %dma_start3A_414 : memref<1x224x224xf32, #tpu.memory_space<hbm>> -> memref<224x224xf32, #tpu.memory_space<hbm>>
        tpu.enqueue_dma source(%dma_start3A_415 : memref<224x224xf32, #tpu.memory_space<hbm>>) target(%dma_start3A_411 : memref<224x224xf32, #tpu.memory_space<vmem_shared>>) target_semaphore(%arg7 : memref<!tpu.dma_semaphore, #tpu.memory_space<semaphore_mem>>)
      } else {
      }
      %add3A_154 = arith.constant 5 : i32
      %add3A_155 = arith.addi %mul3A_34, %add3A_154 : i32
      %dma_wait3A_156 = arith.constant 0 : i32
      %dma_wait3A_157 = arith.constant 1 : i32
      %dma_wait3A_158 = arith.constant 0 : i32
      %dma_wait3A_159 = arith.constant 0 : i32
      %dma_wait3A_160 = tpu.memref_slice %arg6[%arg1, %dma_wait3A_157, %dma_wait3A_158, %dma_wait3A_159] : memref<16x2x224x224xf32, #tpu.memory_space<vmem_shared>> -> memref<1x1x224x224xf32, #tpu.memory_space<vmem_shared>>
      %dma_wait3A_161 = tpu.memref_squeeze %dma_wait3A_160 : memref<1x1x224x224xf32, #tpu.memory_space<vmem_shared>> -> memref<224x224xf32, #tpu.memory_space<vmem_shared>>
      %dma_wait3A_162 = arith.constant 0 : i32
      %dma_wait3A_163 = arith.constant 0 : i32
      %dma_wait3A_164 = tpu.memref_slice %arg2[%dma_wait3A_156, %dma_wait3A_162, %dma_wait3A_163] : memref<1536x224x224xf32, #tpu.memory_space<hbm>> -> memref<1x224x224xf32, #tpu.memory_space<hbm>>
      %dma_wait3A_165 = tpu.memref_squeeze %dma_wait3A_164 : memref<1x224x224xf32, #tpu.memory_space<hbm>> -> memref<224x224xf32, #tpu.memory_space<hbm>>
      tpu.wait_dma2 semaphore(%arg8 : memref<!tpu.dma_semaphore, #tpu.memory_space<semaphore_mem>>) src(%dma_wait3A_165 : memref<224x224xf32, #tpu.memory_space<hbm>>) dst(%dma_wait3A_161 : memref<224x224xf32, #tpu.memory_space<vmem_shared>>)
      %add3A_166 = arith.addi %mul3A_2, %add3A_155 : i32
      %run_scoped3A_167 = arith.constant 1 : i32
      "tpu.region"() ({
        %run_scoped3A_407 = tpu.sem_alloc : memref<!tpu.dma_semaphore, #tpu.memory_space<semaphore_mem>>
        %dma_start3A_408 = arith.constant 0 : i32
        %dma_start3A_409 = arith.constant 0 : i32
        %dma_start3A_410 = tpu.memref_slice %arg4[%add3A_166, %dma_start3A_408, %dma_start3A_409] : memref<1536x224x224xf32, #tpu.memory_space<hbm>> -> memref<1x224x224xf32, #tpu.memory_space<hbm>>
        %dma_start3A_411 = tpu.memref_squeeze %dma_start3A_410 : memref<1x224x224xf32, #tpu.memory_space<hbm>> -> memref<224x224xf32, #tpu.memory_space<hbm>>
        %dma_start3A_412 = arith.constant 0 : i32
        %dma_start3A_413 = arith.constant 0 : i32
        %dma_start3A_414 = tpu.memref_slice %arg6[%arg1, %run_scoped3A_167, %dma_start3A_412, %dma_start3A_413] : memref<16x2x224x224xf32, #tpu.memory_space<vmem_shared>> -> memref<1x1x224x224xf32, #tpu.memory_space<vmem_shared>>
        %dma_start3A_415 = tpu.memref_squeeze %dma_start3A_414 : memref<1x1x224x224xf32, #tpu.memory_space<vmem_shared>> -> memref<224x224xf32, #tpu.memory_space<vmem_shared>>
        tpu.enqueue_dma source(%dma_start3A_415 : memref<224x224xf32, #tpu.memory_space<vmem_shared>>) target(%dma_start3A_411 : memref<224x224xf32, #tpu.memory_space<hbm>>) target_semaphore(%run_scoped3A_407 : memref<!tpu.dma_semaphore, #tpu.memory_space<semaphore_mem>>)
        %dma_wait3A_416 = arith.constant 0 : i32
        %dma_wait3A_417 = arith.constant 0 : i32
        %dma_wait3A_418 = tpu.memref_slice %arg4[%add3A_166, %dma_wait3A_416, %dma_wait3A_417] : memref<1536x224x224xf32, #tpu.memory_space<hbm>> -> memref<1x224x224xf32, #tpu.memory_space<hbm>>
        %dma_wait3A_419 = tpu.memref_squeeze %dma_wait3A_418 : memref<1x224x224xf32, #tpu.memory_space<hbm>> -> memref<224x224xf32, #tpu.memory_space<hbm>>
        %dma_wait3A_420 = arith.constant 0 : i32
        %dma_wait3A_421 = arith.constant 0 : i32
        %dma_wait3A_422 = tpu.memref_slice %arg6[%arg1, %run_scoped3A_167, %dma_wait3A_420, %dma_wait3A_421] : memref<16x2x224x224xf32, #tpu.memory_space<vmem_shared>> -> memref<1x1x224x224xf32, #tpu.memory_space<vmem_shared>>
        %dma_wait3A_423 = tpu.memref_squeeze %dma_wait3A_422 : memref<1x1x224x224xf32, #tpu.memory_space<vmem_shared>> -> memref<224x224xf32, #tpu.memory_space<vmem_shared>>
        tpu.wait_dma2 semaphore(%run_scoped3A_407 : memref<!tpu.dma_semaphore, #tpu.memory_space<semaphore_mem>>) src(%dma_wait3A_423 : memref<224x224xf32, #tpu.memory_space<vmem_shared>>) dst(%dma_wait3A_419 : memref<224x224xf32, #tpu.memory_space<hbm>>)
        tpu.yield
      }) : () -> ()
      %slice3A_168 = vector.extract_strided_slice %get3A_37 {offsets = [7], sizes = [1], strides = [1]} : vector<16xi32> to vector<1xi32>
      %squeeze3A_169 = vector.extract %slice3A_168[0] : i32 from vector<1xi32>
      %add3A_170 = arith.constant 2 : i32
      %add3A_171 = arith.addi %add3A_155, %add3A_170 : i32
      %lt3A_172 = arith.constant 48 : i32
      %lt3A_173 = arith.cmpi slt, %add3A_171, %lt3A_172 : i32
      %convert_element_type3A_174 = arith.extui %lt3A_173 : i1 to i32
      %cond3A_175 = arith.constant 0 : i32
      %cond3A_176 = arith.cmpi ne, %convert_element_type3A_174, %cond3A_175 : i32
      scf.if %cond3A_176 {
        %dma_start3A_407 = arith.constant 1 : i32
        %dma_start3A_408 = arith.constant 0 : i32
        %dma_start3A_409 = arith.constant 0 : i32
        %dma_start3A_410 = tpu.memref_slice %arg6[%arg1, %dma_start3A_407, %dma_start3A_408, %dma_start3A_409] : memref<16x2x224x224xf32, #tpu.memory_space<vmem_shared>> -> memref<1x1x224x224xf32, #tpu.memory_space<vmem_shared>>
        %dma_start3A_411 = tpu.memref_squeeze %dma_start3A_410 : memref<1x1x224x224xf32, #tpu.memory_space<vmem_shared>> -> memref<224x224xf32, #tpu.memory_space<vmem_shared>>
        %dma_start3A_412 = arith.constant 0 : i32
        %dma_start3A_413 = arith.constant 0 : i32
        %dma_start3A_414 = tpu.memref_slice %arg2[%squeeze3A_169, %dma_start3A_412, %dma_start3A_413] : memref<1536x224x224xf32, #tpu.memory_space<hbm>> -> memref<1x224x224xf32, #tpu.memory_space<hbm>>
        %dma_start3A_415 = tpu.memref_squeeze %dma_start3A_414 : memref<1x224x224xf32, #tpu.memory_space<hbm>> -> memref<224x224xf32, #tpu.memory_space<hbm>>
        tpu.enqueue_dma source(%dma_start3A_415 : memref<224x224xf32, #tpu.memory_space<hbm>>) target(%dma_start3A_411 : memref<224x224xf32, #tpu.memory_space<vmem_shared>>) target_semaphore(%arg8 : memref<!tpu.dma_semaphore, #tpu.memory_space<semaphore_mem>>)
      } else {
      }
      %add3A_177 = arith.constant 6 : i32
      %add3A_178 = arith.addi %mul3A_34, %add3A_177 : i32
      %dma_wait3A_179 = arith.constant 0 : i32
      %dma_wait3A_180 = arith.constant 0 : i32
      %dma_wait3A_181 = arith.constant 0 : i32
      %dma_wait3A_182 = arith.constant 0 : i32
      %dma_wait3A_183 = tpu.memref_slice %arg6[%arg1, %dma_wait3A_180, %dma_wait3A_181, %dma_wait3A_182] : memref<16x2x224x224xf32, #tpu.memory_space<vmem_shared>> -> memref<1x1x224x224xf32, #tpu.memory_space<vmem_shared>>
      %dma_wait3A_184 = tpu.memref_squeeze %dma_wait3A_183 : memref<1x1x224x224xf32, #tpu.memory_space<vmem_shared>> -> memref<224x224xf32, #tpu.memory_space<vmem_shared>>
      %dma_wait3A_185 = arith.constant 0 : i32
      %dma_wait3A_186 = arith.constant 0 : i32
      %dma_wait3A_187 = tpu.memref_slice %arg2[%dma_wait3A_179, %dma_wait3A_185, %dma_wait3A_186] : memref<1536x224x224xf32, #tpu.memory_space<hbm>> -> memref<1x224x224xf32, #tpu.memory_space<hbm>>
      %dma_wait3A_188 = tpu.memref_squeeze %dma_wait3A_187 : memref<1x224x224xf32, #tpu.memory_space<hbm>> -> memref<224x224xf32, #tpu.memory_space<hbm>>
      tpu.wait_dma2 semaphore(%arg7 : memref<!tpu.dma_semaphore, #tpu.memory_space<semaphore_mem>>) src(%dma_wait3A_188 : memref<224x224xf32, #tpu.memory_space<hbm>>) dst(%dma_wait3A_184 : memref<224x224xf32, #tpu.memory_space<vmem_shared>>)
      %add3A_189 = arith.addi %mul3A_2, %add3A_178 : i32
      %run_scoped3A_190 = arith.constant 0 : i32
      "tpu.region"() ({
        %run_scoped3A_407 = tpu.sem_alloc : memref<!tpu.dma_semaphore, #tpu.memory_space<semaphore_mem>>
        %dma_start3A_408 = arith.constant 0 : i32
        %dma_start3A_409 = arith.constant 0 : i32
        %dma_start3A_410 = tpu.memref_slice %arg4[%add3A_189, %dma_start3A_408, %dma_start3A_409] : memref<1536x224x224xf32, #tpu.memory_space<hbm>> -> memref<1x224x224xf32, #tpu.memory_space<hbm>>
        %dma_start3A_411 = tpu.memref_squeeze %dma_start3A_410 : memref<1x224x224xf32, #tpu.memory_space<hbm>> -> memref<224x224xf32, #tpu.memory_space<hbm>>
        %dma_start3A_412 = arith.constant 0 : i32
        %dma_start3A_413 = arith.constant 0 : i32
        %dma_start3A_414 = tpu.memref_slice %arg6[%arg1, %run_scoped3A_190, %dma_start3A_412, %dma_start3A_413] : memref<16x2x224x224xf32, #tpu.memory_space<vmem_shared>> -> memref<1x1x224x224xf32, #tpu.memory_space<vmem_shared>>
        %dma_start3A_415 = tpu.memref_squeeze %dma_start3A_414 : memref<1x1x224x224xf32, #tpu.memory_space<vmem_shared>> -> memref<224x224xf32, #tpu.memory_space<vmem_shared>>
        tpu.enqueue_dma source(%dma_start3A_415 : memref<224x224xf32, #tpu.memory_space<vmem_shared>>) target(%dma_start3A_411 : memref<224x224xf32, #tpu.memory_space<hbm>>) target_semaphore(%run_scoped3A_407 : memref<!tpu.dma_semaphore, #tpu.memory_space<semaphore_mem>>)
        %dma_wait3A_416 = arith.constant 0 : i32
        %dma_wait3A_417 = arith.constant 0 : i32
        %dma_wait3A_418 = tpu.memref_slice %arg4[%add3A_189, %dma_wait3A_416, %dma_wait3A_417] : memref<1536x224x224xf32, #tpu.memory_space<hbm>> -> memref<1x224x224xf32, #tpu.memory_space<hbm>>
        %dma_wait3A_419 = tpu.memref_squeeze %dma_wait3A_418 : memref<1x224x224xf32, #tpu.memory_space<hbm>> -> memref<224x224xf32, #tpu.memory_space<hbm>>
        %dma_wait3A_420 = arith.constant 0 : i32
        %dma_wait3A_421 = arith.constant 0 : i32
        %dma_wait3A_422 = tpu.memref_slice %arg6[%arg1, %run_scoped3A_190, %dma_wait3A_420, %dma_wait3A_421] : memref<16x2x224x224xf32, #tpu.memory_space<vmem_shared>> -> memref<1x1x224x224xf32, #tpu.memory_space<vmem_shared>>
        %dma_wait3A_423 = tpu.memref_squeeze %dma_wait3A_422 : memref<1x1x224x224xf32, #tpu.memory_space<vmem_shared>> -> memref<224x224xf32, #tpu.memory_space<vmem_shared>>
        tpu.wait_dma2 semaphore(%run_scoped3A_407 : memref<!tpu.dma_semaphore, #tpu.memory_space<semaphore_mem>>) src(%dma_wait3A_423 : memref<224x224xf32, #tpu.memory_space<vmem_shared>>) dst(%dma_wait3A_419 : memref<224x224xf32, #tpu.memory_space<hbm>>)
        tpu.yield
      }) : () -> ()
      %slice3A_191 = vector.extract_strided_slice %get3A_37 {offsets = [8], sizes = [1], strides = [1]} : vector<16xi32> to vector<1xi32>
      %squeeze3A_192 = vector.extract %slice3A_191[0] : i32 from vector<1xi32>
      %add3A_193 = arith.constant 2 : i32
      %add3A_194 = arith.addi %add3A_178, %add3A_193 : i32
      %lt3A_195 = arith.constant 48 : i32
      %lt3A_196 = arith.cmpi slt, %add3A_194, %lt3A_195 : i32
      %convert_element_type3A_197 = arith.extui %lt3A_196 : i1 to i32
      %cond3A_198 = arith.constant 0 : i32
      %cond3A_199 = arith.cmpi ne, %convert_element_type3A_197, %cond3A_198 : i32
      scf.if %cond3A_199 {
        %dma_start3A_407 = arith.constant 0 : i32
        %dma_start3A_408 = arith.constant 0 : i32
        %dma_start3A_409 = arith.constant 0 : i32
        %dma_start3A_410 = tpu.memref_slice %arg6[%arg1, %dma_start3A_407, %dma_start3A_408, %dma_start3A_409] : memref<16x2x224x224xf32, #tpu.memory_space<vmem_shared>> -> memref<1x1x224x224xf32, #tpu.memory_space<vmem_shared>>
        %dma_start3A_411 = tpu.memref_squeeze %dma_start3A_410 : memref<1x1x224x224xf32, #tpu.memory_space<vmem_shared>> -> memref<224x224xf32, #tpu.memory_space<vmem_shared>>
        %dma_start3A_412 = arith.constant 0 : i32
        %dma_start3A_413 = arith.constant 0 : i32
        %dma_start3A_414 = tpu.memref_slice %arg2[%squeeze3A_192, %dma_start3A_412, %dma_start3A_413] : memref<1536x224x224xf32, #tpu.memory_space<hbm>> -> memref<1x224x224xf32, #tpu.memory_space<hbm>>
        %dma_start3A_415 = tpu.memref_squeeze %dma_start3A_414 : memref<1x224x224xf32, #tpu.memory_space<hbm>> -> memref<224x224xf32, #tpu.memory_space<hbm>>
        tpu.enqueue_dma source(%dma_start3A_415 : memref<224x224xf32, #tpu.memory_space<hbm>>) target(%dma_start3A_411 : memref<224x224xf32, #tpu.memory_space<vmem_shared>>) target_semaphore(%arg7 : memref<!tpu.dma_semaphore, #tpu.memory_space<semaphore_mem>>)
      } else {
      }
      %add3A_200 = arith.constant 7 : i32
      %add3A_201 = arith.addi %mul3A_34, %add3A_200 : i32
      %dma_wait3A_202 = arith.constant 0 : i32
      %dma_wait3A_203 = arith.constant 1 : i32
      %dma_wait3A_204 = arith.constant 0 : i32
      %dma_wait3A_205 = arith.constant 0 : i32
      %dma_wait3A_206 = tpu.memref_slice %arg6[%arg1, %dma_wait3A_203, %dma_wait3A_204, %dma_wait3A_205] : memref<16x2x224x224xf32, #tpu.memory_space<vmem_shared>> -> memref<1x1x224x224xf32, #tpu.memory_space<vmem_shared>>
      %dma_wait3A_207 = tpu.memref_squeeze %dma_wait3A_206 : memref<1x1x224x224xf32, #tpu.memory_space<vmem_shared>> -> memref<224x224xf32, #tpu.memory_space<vmem_shared>>
      %dma_wait3A_208 = arith.constant 0 : i32
      %dma_wait3A_209 = arith.constant 0 : i32
      %dma_wait3A_210 = tpu.memref_slice %arg2[%dma_wait3A_202, %dma_wait3A_208, %dma_wait3A_209] : memref<1536x224x224xf32, #tpu.memory_space<hbm>> -> memref<1x224x224xf32, #tpu.memory_space<hbm>>
      %dma_wait3A_211 = tpu.memref_squeeze %dma_wait3A_210 : memref<1x224x224xf32, #tpu.memory_space<hbm>> -> memref<224x224xf32, #tpu.memory_space<hbm>>
      tpu.wait_dma2 semaphore(%arg8 : memref<!tpu.dma_semaphore, #tpu.memory_space<semaphore_mem>>) src(%dma_wait3A_211 : memref<224x224xf32, #tpu.memory_space<hbm>>) dst(%dma_wait3A_207 : memref<224x224xf32, #tpu.memory_space<vmem_shared>>)
      %add3A_212 = arith.addi %mul3A_2, %add3A_201 : i32
      %run_scoped3A_213 = arith.constant 1 : i32
      "tpu.region"() ({
        %run_scoped3A_407 = tpu.sem_alloc : memref<!tpu.dma_semaphore, #tpu.memory_space<semaphore_mem>>
        %dma_start3A_408 = arith.constant 0 : i32
        %dma_start3A_409 = arith.constant 0 : i32
        %dma_start3A_410 = tpu.memref_slice %arg4[%add3A_212, %dma_start3A_408, %dma_start3A_409] : memref<1536x224x224xf32, #tpu.memory_space<hbm>> -> memref<1x224x224xf32, #tpu.memory_space<hbm>>
        %dma_start3A_411 = tpu.memref_squeeze %dma_start3A_410 : memref<1x224x224xf32, #tpu.memory_space<hbm>> -> memref<224x224xf32, #tpu.memory_space<hbm>>
        %dma_start3A_412 = arith.constant 0 : i32
        %dma_start3A_413 = arith.constant 0 : i32
        %dma_start3A_414 = tpu.memref_slice %arg6[%arg1, %run_scoped3A_213, %dma_start3A_412, %dma_start3A_413] : memref<16x2x224x224xf32, #tpu.memory_space<vmem_shared>> -> memref<1x1x224x224xf32, #tpu.memory_space<vmem_shared>>
        %dma_start3A_415 = tpu.memref_squeeze %dma_start3A_414 : memref<1x1x224x224xf32, #tpu.memory_space<vmem_shared>> -> memref<224x224xf32, #tpu.memory_space<vmem_shared>>
        tpu.enqueue_dma source(%dma_start3A_415 : memref<224x224xf32, #tpu.memory_space<vmem_shared>>) target(%dma_start3A_411 : memref<224x224xf32, #tpu.memory_space<hbm>>) target_semaphore(%run_scoped3A_407 : memref<!tpu.dma_semaphore, #tpu.memory_space<semaphore_mem>>)
        %dma_wait3A_416 = arith.constant 0 : i32
        %dma_wait3A_417 = arith.constant 0 : i32
        %dma_wait3A_418 = tpu.memref_slice %arg4[%add3A_212, %dma_wait3A_416, %dma_wait3A_417] : memref<1536x224x224xf32, #tpu.memory_space<hbm>> -> memref<1x224x224xf32, #tpu.memory_space<hbm>>
        %dma_wait3A_419 = tpu.memref_squeeze %dma_wait3A_418 : memref<1x224x224xf32, #tpu.memory_space<hbm>> -> memref<224x224xf32, #tpu.memory_space<hbm>>
        %dma_wait3A_420 = arith.constant 0 : i32
        %dma_wait3A_421 = arith.constant 0 : i32
        %dma_wait3A_422 = tpu.memref_slice %arg6[%arg1, %run_scoped3A_213, %dma_wait3A_420, %dma_wait3A_421] : memref<16x2x224x224xf32, #tpu.memory_space<vmem_shared>> -> memref<1x1x224x224xf32, #tpu.memory_space<vmem_shared>>
        %dma_wait3A_423 = tpu.memref_squeeze %dma_wait3A_422 : memref<1x1x224x224xf32, #tpu.memory_space<vmem_shared>> -> memref<224x224xf32, #tpu.memory_space<vmem_shared>>
        tpu.wait_dma2 semaphore(%run_scoped3A_407 : memref<!tpu.dma_semaphore, #tpu.memory_space<semaphore_mem>>) src(%dma_wait3A_423 : memref<224x224xf32, #tpu.memory_space<vmem_shared>>) dst(%dma_wait3A_419 : memref<224x224xf32, #tpu.memory_space<hbm>>)
        tpu.yield
      }) : () -> ()
      %slice3A_214 = vector.extract_strided_slice %get3A_37 {offsets = [9], sizes = [1], strides = [1]} : vector<16xi32> to vector<1xi32>
      %squeeze3A_215 = vector.extract %slice3A_214[0] : i32 from vector<1xi32>
      %add3A_216 = arith.constant 2 : i32
      %add3A_217 = arith.addi %add3A_201, %add3A_216 : i32
      %lt3A_218 = arith.constant 48 : i32
      %lt3A_219 = arith.cmpi slt, %add3A_217, %lt3A_218 : i32
      %convert_element_type3A_220 = arith.extui %lt3A_219 : i1 to i32
      %cond3A_221 = arith.constant 0 : i32
      %cond3A_222 = arith.cmpi ne, %convert_element_type3A_220, %cond3A_221 : i32
      scf.if %cond3A_222 {
        %dma_start3A_407 = arith.constant 1 : i32
        %dma_start3A_408 = arith.constant 0 : i32
        %dma_start3A_409 = arith.constant 0 : i32
        %dma_start3A_410 = tpu.memref_slice %arg6[%arg1, %dma_start3A_407, %dma_start3A_408, %dma_start3A_409] : memref<16x2x224x224xf32, #tpu.memory_space<vmem_shared>> -> memref<1x1x224x224xf32, #tpu.memory_space<vmem_shared>>
        %dma_start3A_411 = tpu.memref_squeeze %dma_start3A_410 : memref<1x1x224x224xf32, #tpu.memory_space<vmem_shared>> -> memref<224x224xf32, #tpu.memory_space<vmem_shared>>
        %dma_start3A_412 = arith.constant 0 : i32
        %dma_start3A_413 = arith.constant 0 : i32
        %dma_start3A_414 = tpu.memref_slice %arg2[%squeeze3A_215, %dma_start3A_412, %dma_start3A_413] : memref<1536x224x224xf32, #tpu.memory_space<hbm>> -> memref<1x224x224xf32, #tpu.memory_space<hbm>>
        %dma_start3A_415 = tpu.memref_squeeze %dma_start3A_414 : memref<1x224x224xf32, #tpu.memory_space<hbm>> -> memref<224x224xf32, #tpu.memory_space<hbm>>
        tpu.enqueue_dma source(%dma_start3A_415 : memref<224x224xf32, #tpu.memory_space<hbm>>) target(%dma_start3A_411 : memref<224x224xf32, #tpu.memory_space<vmem_shared>>) target_semaphore(%arg8 : memref<!tpu.dma_semaphore, #tpu.memory_space<semaphore_mem>>)
      } else {
      }
      %add3A_223 = arith.constant 8 : i32
      %add3A_224 = arith.addi %mul3A_34, %add3A_223 : i32
      %dma_wait3A_225 = arith.constant 0 : i32
      %dma_wait3A_226 = arith.constant 0 : i32
      %dma_wait3A_227 = arith.constant 0 : i32
      %dma_wait3A_228 = arith.constant 0 : i32
      %dma_wait3A_229 = tpu.memref_slice %arg6[%arg1, %dma_wait3A_226, %dma_wait3A_227, %dma_wait3A_228] : memref<16x2x224x224xf32, #tpu.memory_space<vmem_shared>> -> memref<1x1x224x224xf32, #tpu.memory_space<vmem_shared>>
      %dma_wait3A_230 = tpu.memref_squeeze %dma_wait3A_229 : memref<1x1x224x224xf32, #tpu.memory_space<vmem_shared>> -> memref<224x224xf32, #tpu.memory_space<vmem_shared>>
      %dma_wait3A_231 = arith.constant 0 : i32
      %dma_wait3A_232 = arith.constant 0 : i32
      %dma_wait3A_233 = tpu.memref_slice %arg2[%dma_wait3A_225, %dma_wait3A_231, %dma_wait3A_232] : memref<1536x224x224xf32, #tpu.memory_space<hbm>> -> memref<1x224x224xf32, #tpu.memory_space<hbm>>
      %dma_wait3A_234 = tpu.memref_squeeze %dma_wait3A_233 : memref<1x224x224xf32, #tpu.memory_space<hbm>> -> memref<224x224xf32, #tpu.memory_space<hbm>>
      tpu.wait_dma2 semaphore(%arg7 : memref<!tpu.dma_semaphore, #tpu.memory_space<semaphore_mem>>) src(%dma_wait3A_234 : memref<224x224xf32, #tpu.memory_space<hbm>>) dst(%dma_wait3A_230 : memref<224x224xf32, #tpu.memory_space<vmem_shared>>)
      %add3A_235 = arith.addi %mul3A_2, %add3A_224 : i32
      %run_scoped3A_236 = arith.constant 0 : i32
      "tpu.region"() ({
        %run_scoped3A_407 = tpu.sem_alloc : memref<!tpu.dma_semaphore, #tpu.memory_space<semaphore_mem>>
        %dma_start3A_408 = arith.constant 0 : i32
        %dma_start3A_409 = arith.constant 0 : i32
        %dma_start3A_410 = tpu.memref_slice %arg4[%add3A_235, %dma_start3A_408, %dma_start3A_409] : memref<1536x224x224xf32, #tpu.memory_space<hbm>> -> memref<1x224x224xf32, #tpu.memory_space<hbm>>
        %dma_start3A_411 = tpu.memref_squeeze %dma_start3A_410 : memref<1x224x224xf32, #tpu.memory_space<hbm>> -> memref<224x224xf32, #tpu.memory_space<hbm>>
        %dma_start3A_412 = arith.constant 0 : i32
        %dma_start3A_413 = arith.constant 0 : i32
        %dma_start3A_414 = tpu.memref_slice %arg6[%arg1, %run_scoped3A_236, %dma_start3A_412, %dma_start3A_413] : memref<16x2x224x224xf32, #tpu.memory_space<vmem_shared>> -> memref<1x1x224x224xf32, #tpu.memory_space<vmem_shared>>
        %dma_start3A_415 = tpu.memref_squeeze %dma_start3A_414 : memref<1x1x224x224xf32, #tpu.memory_space<vmem_shared>> -> memref<224x224xf32, #tpu.memory_space<vmem_shared>>
        tpu.enqueue_dma source(%dma_start3A_415 : memref<224x224xf32, #tpu.memory_space<vmem_shared>>) target(%dma_start3A_411 : memref<224x224xf32, #tpu.memory_space<hbm>>) target_semaphore(%run_scoped3A_407 : memref<!tpu.dma_semaphore, #tpu.memory_space<semaphore_mem>>)
        %dma_wait3A_416 = arith.constant 0 : i32
        %dma_wait3A_417 = arith.constant 0 : i32
        %dma_wait3A_418 = tpu.memref_slice %arg4[%add3A_235, %dma_wait3A_416, %dma_wait3A_417] : memref<1536x224x224xf32, #tpu.memory_space<hbm>> -> memref<1x224x224xf32, #tpu.memory_space<hbm>>
        %dma_wait3A_419 = tpu.memref_squeeze %dma_wait3A_418 : memref<1x224x224xf32, #tpu.memory_space<hbm>> -> memref<224x224xf32, #tpu.memory_space<hbm>>
        %dma_wait3A_420 = arith.constant 0 : i32
        %dma_wait3A_421 = arith.constant 0 : i32
        %dma_wait3A_422 = tpu.memref_slice %arg6[%arg1, %run_scoped3A_236, %dma_wait3A_420, %dma_wait3A_421] : memref<16x2x224x224xf32, #tpu.memory_space<vmem_shared>> -> memref<1x1x224x224xf32, #tpu.memory_space<vmem_shared>>
        %dma_wait3A_423 = tpu.memref_squeeze %dma_wait3A_422 : memref<1x1x224x224xf32, #tpu.memory_space<vmem_shared>> -> memref<224x224xf32, #tpu.memory_space<vmem_shared>>
        tpu.wait_dma2 semaphore(%run_scoped3A_407 : memref<!tpu.dma_semaphore, #tpu.memory_space<semaphore_mem>>) src(%dma_wait3A_423 : memref<224x224xf32, #tpu.memory_space<vmem_shared>>) dst(%dma_wait3A_419 : memref<224x224xf32, #tpu.memory_space<hbm>>)
        tpu.yield
      }) : () -> ()
      %slice3A_237 = vector.extract_strided_slice %get3A_37 {offsets = [10], sizes = [1], strides = [1]} : vector<16xi32> to vector<1xi32>
      %squeeze3A_238 = vector.extract %slice3A_237[0] : i32 from vector<1xi32>
      %add3A_239 = arith.constant 2 : i32
      %add3A_240 = arith.addi %add3A_224, %add3A_239 : i32
      %lt3A_241 = arith.constant 48 : i32
      %lt3A_242 = arith.cmpi slt, %add3A_240, %lt3A_241 : i32
      %convert_element_type3A_243 = arith.extui %lt3A_242 : i1 to i32
      %cond3A_244 = arith.constant 0 : i32
      %cond3A_245 = arith.cmpi ne, %convert_element_type3A_243, %cond3A_244 : i32
      scf.if %cond3A_245 {
        %dma_start3A_407 = arith.constant 0 : i32
        %dma_start3A_408 = arith.constant 0 : i32
        %dma_start3A_409 = arith.constant 0 : i32
        %dma_start3A_410 = tpu.memref_slice %arg6[%arg1, %dma_start3A_407, %dma_start3A_408, %dma_start3A_409] : memref<16x2x224x224xf32, #tpu.memory_space<vmem_shared>> -> memref<1x1x224x224xf32, #tpu.memory_space<vmem_shared>>
        %dma_start3A_411 = tpu.memref_squeeze %dma_start3A_410 : memref<1x1x224x224xf32, #tpu.memory_space<vmem_shared>> -> memref<224x224xf32, #tpu.memory_space<vmem_shared>>
        %dma_start3A_412 = arith.constant 0 : i32
        %dma_start3A_413 = arith.constant 0 : i32
        %dma_start3A_414 = tpu.memref_slice %arg2[%squeeze3A_238, %dma_start3A_412, %dma_start3A_413] : memref<1536x224x224xf32, #tpu.memory_space<hbm>> -> memref<1x224x224xf32, #tpu.memory_space<hbm>>
        %dma_start3A_415 = tpu.memref_squeeze %dma_start3A_414 : memref<1x224x224xf32, #tpu.memory_space<hbm>> -> memref<224x224xf32, #tpu.memory_space<hbm>>
        tpu.enqueue_dma source(%dma_start3A_415 : memref<224x224xf32, #tpu.memory_space<hbm>>) target(%dma_start3A_411 : memref<224x224xf32, #tpu.memory_space<vmem_shared>>) target_semaphore(%arg7 : memref<!tpu.dma_semaphore, #tpu.memory_space<semaphore_mem>>)
      } else {
      }
      %add3A_246 = arith.constant 9 : i32
      %add3A_247 = arith.addi %mul3A_34, %add3A_246 : i32
      %dma_wait3A_248 = arith.constant 0 : i32
      %dma_wait3A_249 = arith.constant 1 : i32
      %dma_wait3A_250 = arith.constant 0 : i32
      %dma_wait3A_251 = arith.constant 0 : i32
      %dma_wait3A_252 = tpu.memref_slice %arg6[%arg1, %dma_wait3A_249, %dma_wait3A_250, %dma_wait3A_251] : memref<16x2x224x224xf32, #tpu.memory_space<vmem_shared>> -> memref<1x1x224x224xf32, #tpu.memory_space<vmem_shared>>
      %dma_wait3A_253 = tpu.memref_squeeze %dma_wait3A_252 : memref<1x1x224x224xf32, #tpu.memory_space<vmem_shared>> -> memref<224x224xf32, #tpu.memory_space<vmem_shared>>
      %dma_wait3A_254 = arith.constant 0 : i32
      %dma_wait3A_255 = arith.constant 0 : i32
      %dma_wait3A_256 = tpu.memref_slice %arg2[%dma_wait3A_248, %dma_wait3A_254, %dma_wait3A_255] : memref<1536x224x224xf32, #tpu.memory_space<hbm>> -> memref<1x224x224xf32, #tpu.memory_space<hbm>>
      %dma_wait3A_257 = tpu.memref_squeeze %dma_wait3A_256 : memref<1x224x224xf32, #tpu.memory_space<hbm>> -> memref<224x224xf32, #tpu.memory_space<hbm>>
      tpu.wait_dma2 semaphore(%arg8 : memref<!tpu.dma_semaphore, #tpu.memory_space<semaphore_mem>>) src(%dma_wait3A_257 : memref<224x224xf32, #tpu.memory_space<hbm>>) dst(%dma_wait3A_253 : memref<224x224xf32, #tpu.memory_space<vmem_shared>>)
      %add3A_258 = arith.addi %mul3A_2, %add3A_247 : i32
      %run_scoped3A_259 = arith.constant 1 : i32
      "tpu.region"() ({
        %run_scoped3A_407 = tpu.sem_alloc : memref<!tpu.dma_semaphore, #tpu.memory_space<semaphore_mem>>
        %dma_start3A_408 = arith.constant 0 : i32
        %dma_start3A_409 = arith.constant 0 : i32
        %dma_start3A_410 = tpu.memref_slice %arg4[%add3A_258, %dma_start3A_408, %dma_start3A_409] : memref<1536x224x224xf32, #tpu.memory_space<hbm>> -> memref<1x224x224xf32, #tpu.memory_space<hbm>>
        %dma_start3A_411 = tpu.memref_squeeze %dma_start3A_410 : memref<1x224x224xf32, #tpu.memory_space<hbm>> -> memref<224x224xf32, #tpu.memory_space<hbm>>
        %dma_start3A_412 = arith.constant 0 : i32
        %dma_start3A_413 = arith.constant 0 : i32
        %dma_start3A_414 = tpu.memref_slice %arg6[%arg1, %run_scoped3A_259, %dma_start3A_412, %dma_start3A_413] : memref<16x2x224x224xf32, #tpu.memory_space<vmem_shared>> -> memref<1x1x224x224xf32, #tpu.memory_space<vmem_shared>>
        %dma_start3A_415 = tpu.memref_squeeze %dma_start3A_414 : memref<1x1x224x224xf32, #tpu.memory_space<vmem_shared>> -> memref<224x224xf32, #tpu.memory_space<vmem_shared>>
        tpu.enqueue_dma source(%dma_start3A_415 : memref<224x224xf32, #tpu.memory_space<vmem_shared>>) target(%dma_start3A_411 : memref<224x224xf32, #tpu.memory_space<hbm>>) target_semaphore(%run_scoped3A_407 : memref<!tpu.dma_semaphore, #tpu.memory_space<semaphore_mem>>)
        %dma_wait3A_416 = arith.constant 0 : i32
        %dma_wait3A_417 = arith.constant 0 : i32
        %dma_wait3A_418 = tpu.memref_slice %arg4[%add3A_258, %dma_wait3A_416, %dma_wait3A_417] : memref<1536x224x224xf32, #tpu.memory_space<hbm>> -> memref<1x224x224xf32, #tpu.memory_space<hbm>>
        %dma_wait3A_419 = tpu.memref_squeeze %dma_wait3A_418 : memref<1x224x224xf32, #tpu.memory_space<hbm>> -> memref<224x224xf32, #tpu.memory_space<hbm>>
        %dma_wait3A_420 = arith.constant 0 : i32
        %dma_wait3A_421 = arith.constant 0 : i32
        %dma_wait3A_422 = tpu.memref_slice %arg6[%arg1, %run_scoped3A_259, %dma_wait3A_420, %dma_wait3A_421] : memref<16x2x224x224xf32, #tpu.memory_space<vmem_shared>> -> memref<1x1x224x224xf32, #tpu.memory_space<vmem_shared>>
        %dma_wait3A_423 = tpu.memref_squeeze %dma_wait3A_422 : memref<1x1x224x224xf32, #tpu.memory_space<vmem_shared>> -> memref<224x224xf32, #tpu.memory_space<vmem_shared>>
        tpu.wait_dma2 semaphore(%run_scoped3A_407 : memref<!tpu.dma_semaphore, #tpu.memory_space<semaphore_mem>>) src(%dma_wait3A_423 : memref<224x224xf32, #tpu.memory_space<vmem_shared>>) dst(%dma_wait3A_419 : memref<224x224xf32, #tpu.memory_space<hbm>>)
        tpu.yield
      }) : () -> ()
      %slice3A_260 = vector.extract_strided_slice %get3A_37 {offsets = [11], sizes = [1], strides = [1]} : vector<16xi32> to vector<1xi32>
      %squeeze3A_261 = vector.extract %slice3A_260[0] : i32 from vector<1xi32>
      %add3A_262 = arith.constant 2 : i32
      %add3A_263 = arith.addi %add3A_247, %add3A_262 : i32
      %lt3A_264 = arith.constant 48 : i32
      %lt3A_265 = arith.cmpi slt, %add3A_263, %lt3A_264 : i32
      %convert_element_type3A_266 = arith.extui %lt3A_265 : i1 to i32
      %cond3A_267 = arith.constant 0 : i32
      %cond3A_268 = arith.cmpi ne, %convert_element_type3A_266, %cond3A_267 : i32
      scf.if %cond3A_268 {
        %dma_start3A_407 = arith.constant 1 : i32
        %dma_start3A_408 = arith.constant 0 : i32
        %dma_start3A_409 = arith.constant 0 : i32
        %dma_start3A_410 = tpu.memref_slice %arg6[%arg1, %dma_start3A_407, %dma_start3A_408, %dma_start3A_409] : memref<16x2x224x224xf32, #tpu.memory_space<vmem_shared>> -> memref<1x1x224x224xf32, #tpu.memory_space<vmem_shared>>
        %dma_start3A_411 = tpu.memref_squeeze %dma_start3A_410 : memref<1x1x224x224xf32, #tpu.memory_space<vmem_shared>> -> memref<224x224xf32, #tpu.memory_space<vmem_shared>>
        %dma_start3A_412 = arith.constant 0 : i32
        %dma_start3A_413 = arith.constant 0 : i32
        %dma_start3A_414 = tpu.memref_slice %arg2[%squeeze3A_261, %dma_start3A_412, %dma_start3A_413] : memref<1536x224x224xf32, #tpu.memory_space<hbm>> -> memref<1x224x224xf32, #tpu.memory_space<hbm>>
        %dma_start3A_415 = tpu.memref_squeeze %dma_start3A_414 : memref<1x224x224xf32, #tpu.memory_space<hbm>> -> memref<224x224xf32, #tpu.memory_space<hbm>>
        tpu.enqueue_dma source(%dma_start3A_415 : memref<224x224xf32, #tpu.memory_space<hbm>>) target(%dma_start3A_411 : memref<224x224xf32, #tpu.memory_space<vmem_shared>>) target_semaphore(%arg8 : memref<!tpu.dma_semaphore, #tpu.memory_space<semaphore_mem>>)
      } else {
      }
      %add3A_269 = arith.constant 10 : i32
      %add3A_270 = arith.addi %mul3A_34, %add3A_269 : i32
      %dma_wait3A_271 = arith.constant 0 : i32
      %dma_wait3A_272 = arith.constant 0 : i32
      %dma_wait3A_273 = arith.constant 0 : i32
      %dma_wait3A_274 = arith.constant 0 : i32
      %dma_wait3A_275 = tpu.memref_slice %arg6[%arg1, %dma_wait3A_272, %dma_wait3A_273, %dma_wait3A_274] : memref<16x2x224x224xf32, #tpu.memory_space<vmem_shared>> -> memref<1x1x224x224xf32, #tpu.memory_space<vmem_shared>>
      %dma_wait3A_276 = tpu.memref_squeeze %dma_wait3A_275 : memref<1x1x224x224xf32, #tpu.memory_space<vmem_shared>> -> memref<224x224xf32, #tpu.memory_space<vmem_shared>>
      %dma_wait3A_277 = arith.constant 0 : i32
      %dma_wait3A_278 = arith.constant 0 : i32
      %dma_wait3A_279 = tpu.memref_slice %arg2[%dma_wait3A_271, %dma_wait3A_277, %dma_wait3A_278] : memref<1536x224x224xf32, #tpu.memory_space<hbm>> -> memref<1x224x224xf32, #tpu.memory_space<hbm>>
      %dma_wait3A_280 = tpu.memref_squeeze %dma_wait3A_279 : memref<1x224x224xf32, #tpu.memory_space<hbm>> -> memref<224x224xf32, #tpu.memory_space<hbm>>
      tpu.wait_dma2 semaphore(%arg7 : memref<!tpu.dma_semaphore, #tpu.memory_space<semaphore_mem>>) src(%dma_wait3A_280 : memref<224x224xf32, #tpu.memory_space<hbm>>) dst(%dma_wait3A_276 : memref<224x224xf32, #tpu.memory_space<vmem_shared>>)
      %add3A_281 = arith.addi %mul3A_2, %add3A_270 : i32
      %run_scoped3A_282 = arith.constant 0 : i32
      "tpu.region"() ({
        %run_scoped3A_407 = tpu.sem_alloc : memref<!tpu.dma_semaphore, #tpu.memory_space<semaphore_mem>>
        %dma_start3A_408 = arith.constant 0 : i32
        %dma_start3A_409 = arith.constant 0 : i32
        %dma_start3A_410 = tpu.memref_slice %arg4[%add3A_281, %dma_start3A_408, %dma_start3A_409] : memref<1536x224x224xf32, #tpu.memory_space<hbm>> -> memref<1x224x224xf32, #tpu.memory_space<hbm>>
        %dma_start3A_411 = tpu.memref_squeeze %dma_start3A_410 : memref<1x224x224xf32, #tpu.memory_space<hbm>> -> memref<224x224xf32, #tpu.memory_space<hbm>>
        %dma_start3A_412 = arith.constant 0 : i32
        %dma_start3A_413 = arith.constant 0 : i32
        %dma_start3A_414 = tpu.memref_slice %arg6[%arg1, %run_scoped3A_282, %dma_start3A_412, %dma_start3A_413] : memref<16x2x224x224xf32, #tpu.memory_space<vmem_shared>> -> memref<1x1x224x224xf32, #tpu.memory_space<vmem_shared>>
        %dma_start3A_415 = tpu.memref_squeeze %dma_start3A_414 : memref<1x1x224x224xf32, #tpu.memory_space<vmem_shared>> -> memref<224x224xf32, #tpu.memory_space<vmem_shared>>
        tpu.enqueue_dma source(%dma_start3A_415 : memref<224x224xf32, #tpu.memory_space<vmem_shared>>) target(%dma_start3A_411 : memref<224x224xf32, #tpu.memory_space<hbm>>) target_semaphore(%run_scoped3A_407 : memref<!tpu.dma_semaphore, #tpu.memory_space<semaphore_mem>>)
        %dma_wait3A_416 = arith.constant 0 : i32
        %dma_wait3A_417 = arith.constant 0 : i32
        %dma_wait3A_418 = tpu.memref_slice %arg4[%add3A_281, %dma_wait3A_416, %dma_wait3A_417] : memref<1536x224x224xf32, #tpu.memory_space<hbm>> -> memref<1x224x224xf32, #tpu.memory_space<hbm>>
        %dma_wait3A_419 = tpu.memref_squeeze %dma_wait3A_418 : memref<1x224x224xf32, #tpu.memory_space<hbm>> -> memref<224x224xf32, #tpu.memory_space<hbm>>
        %dma_wait3A_420 = arith.constant 0 : i32
        %dma_wait3A_421 = arith.constant 0 : i32
        %dma_wait3A_422 = tpu.memref_slice %arg6[%arg1, %run_scoped3A_282, %dma_wait3A_420, %dma_wait3A_421] : memref<16x2x224x224xf32, #tpu.memory_space<vmem_shared>> -> memref<1x1x224x224xf32, #tpu.memory_space<vmem_shared>>
        %dma_wait3A_423 = tpu.memref_squeeze %dma_wait3A_422 : memref<1x1x224x224xf32, #tpu.memory_space<vmem_shared>> -> memref<224x224xf32, #tpu.memory_space<vmem_shared>>
        tpu.wait_dma2 semaphore(%run_scoped3A_407 : memref<!tpu.dma_semaphore, #tpu.memory_space<semaphore_mem>>) src(%dma_wait3A_423 : memref<224x224xf32, #tpu.memory_space<vmem_shared>>) dst(%dma_wait3A_419 : memref<224x224xf32, #tpu.memory_space<hbm>>)
        tpu.yield
      }) : () -> ()
      %slice3A_283 = vector.extract_strided_slice %get3A_37 {offsets = [12], sizes = [1], strides = [1]} : vector<16xi32> to vector<1xi32>
      %squeeze3A_284 = vector.extract %slice3A_283[0] : i32 from vector<1xi32>
      %add3A_285 = arith.constant 2 : i32
      %add3A_286 = arith.addi %add3A_270, %add3A_285 : i32
      %lt3A_287 = arith.constant 48 : i32
      %lt3A_288 = arith.cmpi slt, %add3A_286, %lt3A_287 : i32
      %convert_element_type3A_289 = arith.extui %lt3A_288 : i1 to i32
      %cond3A_290 = arith.constant 0 : i32
      %cond3A_291 = arith.cmpi ne, %convert_element_type3A_289, %cond3A_290 : i32
      scf.if %cond3A_291 {
        %dma_start3A_407 = arith.constant 0 : i32
        %dma_start3A_408 = arith.constant 0 : i32
        %dma_start3A_409 = arith.constant 0 : i32
        %dma_start3A_410 = tpu.memref_slice %arg6[%arg1, %dma_start3A_407, %dma_start3A_408, %dma_start3A_409] : memref<16x2x224x224xf32, #tpu.memory_space<vmem_shared>> -> memref<1x1x224x224xf32, #tpu.memory_space<vmem_shared>>
        %dma_start3A_411 = tpu.memref_squeeze %dma_start3A_410 : memref<1x1x224x224xf32, #tpu.memory_space<vmem_shared>> -> memref<224x224xf32, #tpu.memory_space<vmem_shared>>
        %dma_start3A_412 = arith.constant 0 : i32
        %dma_start3A_413 = arith.constant 0 : i32
        %dma_start3A_414 = tpu.memref_slice %arg2[%squeeze3A_284, %dma_start3A_412, %dma_start3A_413] : memref<1536x224x224xf32, #tpu.memory_space<hbm>> -> memref<1x224x224xf32, #tpu.memory_space<hbm>>
        %dma_start3A_415 = tpu.memref_squeeze %dma_start3A_414 : memref<1x224x224xf32, #tpu.memory_space<hbm>> -> memref<224x224xf32, #tpu.memory_space<hbm>>
        tpu.enqueue_dma source(%dma_start3A_415 : memref<224x224xf32, #tpu.memory_space<hbm>>) target(%dma_start3A_411 : memref<224x224xf32, #tpu.memory_space<vmem_shared>>) target_semaphore(%arg7 : memref<!tpu.dma_semaphore, #tpu.memory_space<semaphore_mem>>)
      } else {
      }
      %add3A_292 = arith.constant 11 : i32
      %add3A_293 = arith.addi %mul3A_34, %add3A_292 : i32
      %dma_wait3A_294 = arith.constant 0 : i32
      %dma_wait3A_295 = arith.constant 1 : i32
      %dma_wait3A_296 = arith.constant 0 : i32
      %dma_wait3A_297 = arith.constant 0 : i32
      %dma_wait3A_298 = tpu.memref_slice %arg6[%arg1, %dma_wait3A_295, %dma_wait3A_296, %dma_wait3A_297] : memref<16x2x224x224xf32, #tpu.memory_space<vmem_shared>> -> memref<1x1x224x224xf32, #tpu.memory_space<vmem_shared>>
      %dma_wait3A_299 = tpu.memref_squeeze %dma_wait3A_298 : memref<1x1x224x224xf32, #tpu.memory_space<vmem_shared>> -> memref<224x224xf32, #tpu.memory_space<vmem_shared>>
      %dma_wait3A_300 = arith.constant 0 : i32
      %dma_wait3A_301 = arith.constant 0 : i32
      %dma_wait3A_302 = tpu.memref_slice %arg2[%dma_wait3A_294, %dma_wait3A_300, %dma_wait3A_301] : memref<1536x224x224xf32, #tpu.memory_space<hbm>> -> memref<1x224x224xf32, #tpu.memory_space<hbm>>
      %dma_wait3A_303 = tpu.memref_squeeze %dma_wait3A_302 : memref<1x224x224xf32, #tpu.memory_space<hbm>> -> memref<224x224xf32, #tpu.memory_space<hbm>>
      tpu.wait_dma2 semaphore(%arg8 : memref<!tpu.dma_semaphore, #tpu.memory_space<semaphore_mem>>) src(%dma_wait3A_303 : memref<224x224xf32, #tpu.memory_space<hbm>>) dst(%dma_wait3A_299 : memref<224x224xf32, #tpu.memory_space<vmem_shared>>)
      %add3A_304 = arith.addi %mul3A_2, %add3A_293 : i32
      %run_scoped3A_305 = arith.constant 1 : i32
      "tpu.region"() ({
        %run_scoped3A_407 = tpu.sem_alloc : memref<!tpu.dma_semaphore, #tpu.memory_space<semaphore_mem>>
        %dma_start3A_408 = arith.constant 0 : i32
        %dma_start3A_409 = arith.constant 0 : i32
        %dma_start3A_410 = tpu.memref_slice %arg4[%add3A_304, %dma_start3A_408, %dma_start3A_409] : memref<1536x224x224xf32, #tpu.memory_space<hbm>> -> memref<1x224x224xf32, #tpu.memory_space<hbm>>
        %dma_start3A_411 = tpu.memref_squeeze %dma_start3A_410 : memref<1x224x224xf32, #tpu.memory_space<hbm>> -> memref<224x224xf32, #tpu.memory_space<hbm>>
        %dma_start3A_412 = arith.constant 0 : i32
        %dma_start3A_413 = arith.constant 0 : i32
        %dma_start3A_414 = tpu.memref_slice %arg6[%arg1, %run_scoped3A_305, %dma_start3A_412, %dma_start3A_413] : memref<16x2x224x224xf32, #tpu.memory_space<vmem_shared>> -> memref<1x1x224x224xf32, #tpu.memory_space<vmem_shared>>
        %dma_start3A_415 = tpu.memref_squeeze %dma_start3A_414 : memref<1x1x224x224xf32, #tpu.memory_space<vmem_shared>> -> memref<224x224xf32, #tpu.memory_space<vmem_shared>>
        tpu.enqueue_dma source(%dma_start3A_415 : memref<224x224xf32, #tpu.memory_space<vmem_shared>>) target(%dma_start3A_411 : memref<224x224xf32, #tpu.memory_space<hbm>>) target_semaphore(%run_scoped3A_407 : memref<!tpu.dma_semaphore, #tpu.memory_space<semaphore_mem>>)
        %dma_wait3A_416 = arith.constant 0 : i32
        %dma_wait3A_417 = arith.constant 0 : i32
        %dma_wait3A_418 = tpu.memref_slice %arg4[%add3A_304, %dma_wait3A_416, %dma_wait3A_417] : memref<1536x224x224xf32, #tpu.memory_space<hbm>> -> memref<1x224x224xf32, #tpu.memory_space<hbm>>
        %dma_wait3A_419 = tpu.memref_squeeze %dma_wait3A_418 : memref<1x224x224xf32, #tpu.memory_space<hbm>> -> memref<224x224xf32, #tpu.memory_space<hbm>>
        %dma_wait3A_420 = arith.constant 0 : i32
        %dma_wait3A_421 = arith.constant 0 : i32
        %dma_wait3A_422 = tpu.memref_slice %arg6[%arg1, %run_scoped3A_305, %dma_wait3A_420, %dma_wait3A_421] : memref<16x2x224x224xf32, #tpu.memory_space<vmem_shared>> -> memref<1x1x224x224xf32, #tpu.memory_space<vmem_shared>>
        %dma_wait3A_423 = tpu.memref_squeeze %dma_wait3A_422 : memref<1x1x224x224xf32, #tpu.memory_space<vmem_shared>> -> memref<224x224xf32, #tpu.memory_space<vmem_shared>>
        tpu.wait_dma2 semaphore(%run_scoped3A_407 : memref<!tpu.dma_semaphore, #tpu.memory_space<semaphore_mem>>) src(%dma_wait3A_423 : memref<224x224xf32, #tpu.memory_space<vmem_shared>>) dst(%dma_wait3A_419 : memref<224x224xf32, #tpu.memory_space<hbm>>)
        tpu.yield
      }) : () -> ()
      %slice3A_306 = vector.extract_strided_slice %get3A_37 {offsets = [13], sizes = [1], strides = [1]} : vector<16xi32> to vector<1xi32>
      %squeeze3A_307 = vector.extract %slice3A_306[0] : i32 from vector<1xi32>
      %add3A_308 = arith.constant 2 : i32
      %add3A_309 = arith.addi %add3A_293, %add3A_308 : i32
      %lt3A_310 = arith.constant 48 : i32
      %lt3A_311 = arith.cmpi slt, %add3A_309, %lt3A_310 : i32
      %convert_element_type3A_312 = arith.extui %lt3A_311 : i1 to i32
      %cond3A_313 = arith.constant 0 : i32
      %cond3A_314 = arith.cmpi ne, %convert_element_type3A_312, %cond3A_313 : i32
      scf.if %cond3A_314 {
        %dma_start3A_407 = arith.constant 1 : i32
        %dma_start3A_408 = arith.constant 0 : i32
        %dma_start3A_409 = arith.constant 0 : i32
        %dma_start3A_410 = tpu.memref_slice %arg6[%arg1, %dma_start3A_407, %dma_start3A_408, %dma_start3A_409] : memref<16x2x224x224xf32, #tpu.memory_space<vmem_shared>> -> memref<1x1x224x224xf32, #tpu.memory_space<vmem_shared>>
        %dma_start3A_411 = tpu.memref_squeeze %dma_start3A_410 : memref<1x1x224x224xf32, #tpu.memory_space<vmem_shared>> -> memref<224x224xf32, #tpu.memory_space<vmem_shared>>
        %dma_start3A_412 = arith.constant 0 : i32
        %dma_start3A_413 = arith.constant 0 : i32
        %dma_start3A_414 = tpu.memref_slice %arg2[%squeeze3A_307, %dma_start3A_412, %dma_start3A_413] : memref<1536x224x224xf32, #tpu.memory_space<hbm>> -> memref<1x224x224xf32, #tpu.memory_space<hbm>>
        %dma_start3A_415 = tpu.memref_squeeze %dma_start3A_414 : memref<1x224x224xf32, #tpu.memory_space<hbm>> -> memref<224x224xf32, #tpu.memory_space<hbm>>
        tpu.enqueue_dma source(%dma_start3A_415 : memref<224x224xf32, #tpu.memory_space<hbm>>) target(%dma_start3A_411 : memref<224x224xf32, #tpu.memory_space<vmem_shared>>) target_semaphore(%arg8 : memref<!tpu.dma_semaphore, #tpu.memory_space<semaphore_mem>>)
      } else {
      }
      %add3A_315 = arith.constant 12 : i32
      %add3A_316 = arith.addi %mul3A_34, %add3A_315 : i32
      %dma_wait3A_317 = arith.constant 0 : i32
      %dma_wait3A_318 = arith.constant 0 : i32
      %dma_wait3A_319 = arith.constant 0 : i32
      %dma_wait3A_320 = arith.constant 0 : i32
      %dma_wait3A_321 = tpu.memref_slice %arg6[%arg1, %dma_wait3A_318, %dma_wait3A_319, %dma_wait3A_320] : memref<16x2x224x224xf32, #tpu.memory_space<vmem_shared>> -> memref<1x1x224x224xf32, #tpu.memory_space<vmem_shared>>
      %dma_wait3A_322 = tpu.memref_squeeze %dma_wait3A_321 : memref<1x1x224x224xf32, #tpu.memory_space<vmem_shared>> -> memref<224x224xf32, #tpu.memory_space<vmem_shared>>
      %dma_wait3A_323 = arith.constant 0 : i32
      %dma_wait3A_324 = arith.constant 0 : i32
      %dma_wait3A_325 = tpu.memref_slice %arg2[%dma_wait3A_317, %dma_wait3A_323, %dma_wait3A_324] : memref<1536x224x224xf32, #tpu.memory_space<hbm>> -> memref<1x224x224xf32, #tpu.memory_space<hbm>>
      %dma_wait3A_326 = tpu.memref_squeeze %dma_wait3A_325 : memref<1x224x224xf32, #tpu.memory_space<hbm>> -> memref<224x224xf32, #tpu.memory_space<hbm>>
      tpu.wait_dma2 semaphore(%arg7 : memref<!tpu.dma_semaphore, #tpu.memory_space<semaphore_mem>>) src(%dma_wait3A_326 : memref<224x224xf32, #tpu.memory_space<hbm>>) dst(%dma_wait3A_322 : memref<224x224xf32, #tpu.memory_space<vmem_shared>>)
      %add3A_327 = arith.addi %mul3A_2, %add3A_316 : i32
      %run_scoped3A_328 = arith.constant 0 : i32
      "tpu.region"() ({
        %run_scoped3A_407 = tpu.sem_alloc : memref<!tpu.dma_semaphore, #tpu.memory_space<semaphore_mem>>
        %dma_start3A_408 = arith.constant 0 : i32
        %dma_start3A_409 = arith.constant 0 : i32
        %dma_start3A_410 = tpu.memref_slice %arg4[%add3A_327, %dma_start3A_408, %dma_start3A_409] : memref<1536x224x224xf32, #tpu.memory_space<hbm>> -> memref<1x224x224xf32, #tpu.memory_space<hbm>>
        %dma_start3A_411 = tpu.memref_squeeze %dma_start3A_410 : memref<1x224x224xf32, #tpu.memory_space<hbm>> -> memref<224x224xf32, #tpu.memory_space<hbm>>
        %dma_start3A_412 = arith.constant 0 : i32
        %dma_start3A_413 = arith.constant 0 : i32
        %dma_start3A_414 = tpu.memref_slice %arg6[%arg1, %run_scoped3A_328, %dma_start3A_412, %dma_start3A_413] : memref<16x2x224x224xf32, #tpu.memory_space<vmem_shared>> -> memref<1x1x224x224xf32, #tpu.memory_space<vmem_shared>>
        %dma_start3A_415 = tpu.memref_squeeze %dma_start3A_414 : memref<1x1x224x224xf32, #tpu.memory_space<vmem_shared>> -> memref<224x224xf32, #tpu.memory_space<vmem_shared>>
        tpu.enqueue_dma source(%dma_start3A_415 : memref<224x224xf32, #tpu.memory_space<vmem_shared>>) target(%dma_start3A_411 : memref<224x224xf32, #tpu.memory_space<hbm>>) target_semaphore(%run_scoped3A_407 : memref<!tpu.dma_semaphore, #tpu.memory_space<semaphore_mem>>)
        %dma_wait3A_416 = arith.constant 0 : i32
        %dma_wait3A_417 = arith.constant 0 : i32
        %dma_wait3A_418 = tpu.memref_slice %arg4[%add3A_327, %dma_wait3A_416, %dma_wait3A_417] : memref<1536x224x224xf32, #tpu.memory_space<hbm>> -> memref<1x224x224xf32, #tpu.memory_space<hbm>>
        %dma_wait3A_419 = tpu.memref_squeeze %dma_wait3A_418 : memref<1x224x224xf32, #tpu.memory_space<hbm>> -> memref<224x224xf32, #tpu.memory_space<hbm>>
        %dma_wait3A_420 = arith.constant 0 : i32
        %dma_wait3A_421 = arith.constant 0 : i32
        %dma_wait3A_422 = tpu.memref_slice %arg6[%arg1, %run_scoped3A_328, %dma_wait3A_420, %dma_wait3A_421] : memref<16x2x224x224xf32, #tpu.memory_space<vmem_shared>> -> memref<1x1x224x224xf32, #tpu.memory_space<vmem_shared>>
        %dma_wait3A_423 = tpu.memref_squeeze %dma_wait3A_422 : memref<1x1x224x224xf32, #tpu.memory_space<vmem_shared>> -> memref<224x224xf32, #tpu.memory_space<vmem_shared>>
        tpu.wait_dma2 semaphore(%run_scoped3A_407 : memref<!tpu.dma_semaphore, #tpu.memory_space<semaphore_mem>>) src(%dma_wait3A_423 : memref<224x224xf32, #tpu.memory_space<vmem_shared>>) dst(%dma_wait3A_419 : memref<224x224xf32, #tpu.memory_space<hbm>>)
        tpu.yield
      }) : () -> ()
      %slice3A_329 = vector.extract_strided_slice %get3A_37 {offsets = [14], sizes = [1], strides = [1]} : vector<16xi32> to vector<1xi32>
      %squeeze3A_330 = vector.extract %slice3A_329[0] : i32 from vector<1xi32>
      %add3A_331 = arith.constant 2 : i32
      %add3A_332 = arith.addi %add3A_316, %add3A_331 : i32
      %lt3A_333 = arith.constant 48 : i32
      %lt3A_334 = arith.cmpi slt, %add3A_332, %lt3A_333 : i32
      %convert_element_type3A_335 = arith.extui %lt3A_334 : i1 to i32
      %cond3A_336 = arith.constant 0 : i32
      %cond3A_337 = arith.cmpi ne, %convert_element_type3A_335, %cond3A_336 : i32
      scf.if %cond3A_337 {
        %dma_start3A_407 = arith.constant 0 : i32
        %dma_start3A_408 = arith.constant 0 : i32
        %dma_start3A_409 = arith.constant 0 : i32
        %dma_start3A_410 = tpu.memref_slice %arg6[%arg1, %dma_start3A_407, %dma_start3A_408, %dma_start3A_409] : memref<16x2x224x224xf32, #tpu.memory_space<vmem_shared>> -> memref<1x1x224x224xf32, #tpu.memory_space<vmem_shared>>
        %dma_start3A_411 = tpu.memref_squeeze %dma_start3A_410 : memref<1x1x224x224xf32, #tpu.memory_space<vmem_shared>> -> memref<224x224xf32, #tpu.memory_space<vmem_shared>>
        %dma_start3A_412 = arith.constant 0 : i32
        %dma_start3A_413 = arith.constant 0 : i32
        %dma_start3A_414 = tpu.memref_slice %arg2[%squeeze3A_330, %dma_start3A_412, %dma_start3A_413] : memref<1536x224x224xf32, #tpu.memory_space<hbm>> -> memref<1x224x224xf32, #tpu.memory_space<hbm>>
        %dma_start3A_415 = tpu.memref_squeeze %dma_start3A_414 : memref<1x224x224xf32, #tpu.memory_space<hbm>> -> memref<224x224xf32, #tpu.memory_space<hbm>>
        tpu.enqueue_dma source(%dma_start3A_415 : memref<224x224xf32, #tpu.memory_space<hbm>>) target(%dma_start3A_411 : memref<224x224xf32, #tpu.memory_space<vmem_shared>>) target_semaphore(%arg7 : memref<!tpu.dma_semaphore, #tpu.memory_space<semaphore_mem>>)
      } else {
      }
      %add3A_338 = arith.constant 13 : i32
      %add3A_339 = arith.addi %mul3A_34, %add3A_338 : i32
      %dma_wait3A_340 = arith.constant 0 : i32
      %dma_wait3A_341 = arith.constant 1 : i32
      %dma_wait3A_342 = arith.constant 0 : i32
      %dma_wait3A_343 = arith.constant 0 : i32
      %dma_wait3A_344 = tpu.memref_slice %arg6[%arg1, %dma_wait3A_341, %dma_wait3A_342, %dma_wait3A_343] : memref<16x2x224x224xf32, #tpu.memory_space<vmem_shared>> -> memref<1x1x224x224xf32, #tpu.memory_space<vmem_shared>>
      %dma_wait3A_345 = tpu.memref_squeeze %dma_wait3A_344 : memref<1x1x224x224xf32, #tpu.memory_space<vmem_shared>> -> memref<224x224xf32, #tpu.memory_space<vmem_shared>>
      %dma_wait3A_346 = arith.constant 0 : i32
      %dma_wait3A_347 = arith.constant 0 : i32
      %dma_wait3A_348 = tpu.memref_slice %arg2[%dma_wait3A_340, %dma_wait3A_346, %dma_wait3A_347] : memref<1536x224x224xf32, #tpu.memory_space<hbm>> -> memref<1x224x224xf32, #tpu.memory_space<hbm>>
      %dma_wait3A_349 = tpu.memref_squeeze %dma_wait3A_348 : memref<1x224x224xf32, #tpu.memory_space<hbm>> -> memref<224x224xf32, #tpu.memory_space<hbm>>
      tpu.wait_dma2 semaphore(%arg8 : memref<!tpu.dma_semaphore, #tpu.memory_space<semaphore_mem>>) src(%dma_wait3A_349 : memref<224x224xf32, #tpu.memory_space<hbm>>) dst(%dma_wait3A_345 : memref<224x224xf32, #tpu.memory_space<vmem_shared>>)
      %add3A_350 = arith.addi %mul3A_2, %add3A_339 : i32
      %run_scoped3A_351 = arith.constant 1 : i32
      "tpu.region"() ({
        %run_scoped3A_407 = tpu.sem_alloc : memref<!tpu.dma_semaphore, #tpu.memory_space<semaphore_mem>>
        %dma_start3A_408 = arith.constant 0 : i32
        %dma_start3A_409 = arith.constant 0 : i32
        %dma_start3A_410 = tpu.memref_slice %arg4[%add3A_350, %dma_start3A_408, %dma_start3A_409] : memref<1536x224x224xf32, #tpu.memory_space<hbm>> -> memref<1x224x224xf32, #tpu.memory_space<hbm>>
        %dma_start3A_411 = tpu.memref_squeeze %dma_start3A_410 : memref<1x224x224xf32, #tpu.memory_space<hbm>> -> memref<224x224xf32, #tpu.memory_space<hbm>>
        %dma_start3A_412 = arith.constant 0 : i32
        %dma_start3A_413 = arith.constant 0 : i32
        %dma_start3A_414 = tpu.memref_slice %arg6[%arg1, %run_scoped3A_351, %dma_start3A_412, %dma_start3A_413] : memref<16x2x224x224xf32, #tpu.memory_space<vmem_shared>> -> memref<1x1x224x224xf32, #tpu.memory_space<vmem_shared>>
        %dma_start3A_415 = tpu.memref_squeeze %dma_start3A_414 : memref<1x1x224x224xf32, #tpu.memory_space<vmem_shared>> -> memref<224x224xf32, #tpu.memory_space<vmem_shared>>
        tpu.enqueue_dma source(%dma_start3A_415 : memref<224x224xf32, #tpu.memory_space<vmem_shared>>) target(%dma_start3A_411 : memref<224x224xf32, #tpu.memory_space<hbm>>) target_semaphore(%run_scoped3A_407 : memref<!tpu.dma_semaphore, #tpu.memory_space<semaphore_mem>>)
        %dma_wait3A_416 = arith.constant 0 : i32
        %dma_wait3A_417 = arith.constant 0 : i32
        %dma_wait3A_418 = tpu.memref_slice %arg4[%add3A_350, %dma_wait3A_416, %dma_wait3A_417] : memref<1536x224x224xf32, #tpu.memory_space<hbm>> -> memref<1x224x224xf32, #tpu.memory_space<hbm>>
        %dma_wait3A_419 = tpu.memref_squeeze %dma_wait3A_418 : memref<1x224x224xf32, #tpu.memory_space<hbm>> -> memref<224x224xf32, #tpu.memory_space<hbm>>
        %dma_wait3A_420 = arith.constant 0 : i32
        %dma_wait3A_421 = arith.constant 0 : i32
        %dma_wait3A_422 = tpu.memref_slice %arg6[%arg1, %run_scoped3A_351, %dma_wait3A_420, %dma_wait3A_421] : memref<16x2x224x224xf32, #tpu.memory_space<vmem_shared>> -> memref<1x1x224x224xf32, #tpu.memory_space<vmem_shared>>
        %dma_wait3A_423 = tpu.memref_squeeze %dma_wait3A_422 : memref<1x1x224x224xf32, #tpu.memory_space<vmem_shared>> -> memref<224x224xf32, #tpu.memory_space<vmem_shared>>
        tpu.wait_dma2 semaphore(%run_scoped3A_407 : memref<!tpu.dma_semaphore, #tpu.memory_space<semaphore_mem>>) src(%dma_wait3A_423 : memref<224x224xf32, #tpu.memory_space<vmem_shared>>) dst(%dma_wait3A_419 : memref<224x224xf32, #tpu.memory_space<hbm>>)
        tpu.yield
      }) : () -> ()
      %slice3A_352 = vector.extract_strided_slice %get3A_37 {offsets = [15], sizes = [1], strides = [1]} : vector<16xi32> to vector<1xi32>
      %squeeze3A_353 = vector.extract %slice3A_352[0] : i32 from vector<1xi32>
      %add3A_354 = arith.constant 2 : i32
      %add3A_355 = arith.addi %add3A_339, %add3A_354 : i32
      %lt3A_356 = arith.constant 48 : i32
      %lt3A_357 = arith.cmpi slt, %add3A_355, %lt3A_356 : i32
      %convert_element_type3A_358 = arith.extui %lt3A_357 : i1 to i32
      %cond3A_359 = arith.constant 0 : i32
      %cond3A_360 = arith.cmpi ne, %convert_element_type3A_358, %cond3A_359 : i32
      scf.if %cond3A_360 {
        %dma_start3A_407 = arith.constant 1 : i32
        %dma_start3A_408 = arith.constant 0 : i32
        %dma_start3A_409 = arith.constant 0 : i32
        %dma_start3A_410 = tpu.memref_slice %arg6[%arg1, %dma_start3A_407, %dma_start3A_408, %dma_start3A_409] : memref<16x2x224x224xf32, #tpu.memory_space<vmem_shared>> -> memref<1x1x224x224xf32, #tpu.memory_space<vmem_shared>>
        %dma_start3A_411 = tpu.memref_squeeze %dma_start3A_410 : memref<1x1x224x224xf32, #tpu.memory_space<vmem_shared>> -> memref<224x224xf32, #tpu.memory_space<vmem_shared>>
        %dma_start3A_412 = arith.constant 0 : i32
        %dma_start3A_413 = arith.constant 0 : i32
        %dma_start3A_414 = tpu.memref_slice %arg2[%squeeze3A_353, %dma_start3A_412, %dma_start3A_413] : memref<1536x224x224xf32, #tpu.memory_space<hbm>> -> memref<1x224x224xf32, #tpu.memory_space<hbm>>
        %dma_start3A_415 = tpu.memref_squeeze %dma_start3A_414 : memref<1x224x224xf32, #tpu.memory_space<hbm>> -> memref<224x224xf32, #tpu.memory_space<hbm>>
        tpu.enqueue_dma source(%dma_start3A_415 : memref<224x224xf32, #tpu.memory_space<hbm>>) target(%dma_start3A_411 : memref<224x224xf32, #tpu.memory_space<vmem_shared>>) target_semaphore(%arg8 : memref<!tpu.dma_semaphore, #tpu.memory_space<semaphore_mem>>)
      } else {
      }
      %add3A_361 = arith.constant 14 : i32
      %add3A_362 = arith.addi %mul3A_34, %add3A_361 : i32
      %dma_wait3A_363 = arith.constant 0 : i32
      %dma_wait3A_364 = arith.constant 0 : i32
      %dma_wait3A_365 = arith.constant 0 : i32
      %dma_wait3A_366 = arith.constant 0 : i32
      %dma_wait3A_367 = tpu.memref_slice %arg6[%arg1, %dma_wait3A_364, %dma_wait3A_365, %dma_wait3A_366] : memref<16x2x224x224xf32, #tpu.memory_space<vmem_shared>> -> memref<1x1x224x224xf32, #tpu.memory_space<vmem_shared>>
      %dma_wait3A_368 = tpu.memref_squeeze %dma_wait3A_367 : memref<1x1x224x224xf32, #tpu.memory_space<vmem_shared>> -> memref<224x224xf32, #tpu.memory_space<vmem_shared>>
      %dma_wait3A_369 = arith.constant 0 : i32
      %dma_wait3A_370 = arith.constant 0 : i32
      %dma_wait3A_371 = tpu.memref_slice %arg2[%dma_wait3A_363, %dma_wait3A_369, %dma_wait3A_370] : memref<1536x224x224xf32, #tpu.memory_space<hbm>> -> memref<1x224x224xf32, #tpu.memory_space<hbm>>
      %dma_wait3A_372 = tpu.memref_squeeze %dma_wait3A_371 : memref<1x224x224xf32, #tpu.memory_space<hbm>> -> memref<224x224xf32, #tpu.memory_space<hbm>>
      tpu.wait_dma2 semaphore(%arg7 : memref<!tpu.dma_semaphore, #tpu.memory_space<semaphore_mem>>) src(%dma_wait3A_372 : memref<224x224xf32, #tpu.memory_space<hbm>>) dst(%dma_wait3A_368 : memref<224x224xf32, #tpu.memory_space<vmem_shared>>)
      %add3A_373 = arith.addi %mul3A_2, %add3A_362 : i32
      %run_scoped3A_374 = arith.constant 0 : i32
      "tpu.region"() ({
        %run_scoped3A_407 = tpu.sem_alloc : memref<!tpu.dma_semaphore, #tpu.memory_space<semaphore_mem>>
        %dma_start3A_408 = arith.constant 0 : i32
        %dma_start3A_409 = arith.constant 0 : i32
        %dma_start3A_410 = tpu.memref_slice %arg4[%add3A_373, %dma_start3A_408, %dma_start3A_409] : memref<1536x224x224xf32, #tpu.memory_space<hbm>> -> memref<1x224x224xf32, #tpu.memory_space<hbm>>
        %dma_start3A_411 = tpu.memref_squeeze %dma_start3A_410 : memref<1x224x224xf32, #tpu.memory_space<hbm>> -> memref<224x224xf32, #tpu.memory_space<hbm>>
        %dma_start3A_412 = arith.constant 0 : i32
        %dma_start3A_413 = arith.constant 0 : i32
        %dma_start3A_414 = tpu.memref_slice %arg6[%arg1, %run_scoped3A_374, %dma_start3A_412, %dma_start3A_413] : memref<16x2x224x224xf32, #tpu.memory_space<vmem_shared>> -> memref<1x1x224x224xf32, #tpu.memory_space<vmem_shared>>
        %dma_start3A_415 = tpu.memref_squeeze %dma_start3A_414 : memref<1x1x224x224xf32, #tpu.memory_space<vmem_shared>> -> memref<224x224xf32, #tpu.memory_space<vmem_shared>>
        tpu.enqueue_dma source(%dma_start3A_415 : memref<224x224xf32, #tpu.memory_space<vmem_shared>>) target(%dma_start3A_411 : memref<224x224xf32, #tpu.memory_space<hbm>>) target_semaphore(%run_scoped3A_407 : memref<!tpu.dma_semaphore, #tpu.memory_space<semaphore_mem>>)
        %dma_wait3A_416 = arith.constant 0 : i32
        %dma_wait3A_417 = arith.constant 0 : i32
        %dma_wait3A_418 = tpu.memref_slice %arg4[%add3A_373, %dma_wait3A_416, %dma_wait3A_417] : memref<1536x224x224xf32, #tpu.memory_space<hbm>> -> memref<1x224x224xf32, #tpu.memory_space<hbm>>
        %dma_wait3A_419 = tpu.memref_squeeze %dma_wait3A_418 : memref<1x224x224xf32, #tpu.memory_space<hbm>> -> memref<224x224xf32, #tpu.memory_space<hbm>>
        %dma_wait3A_420 = arith.constant 0 : i32
        %dma_wait3A_421 = arith.constant 0 : i32
        %dma_wait3A_422 = tpu.memref_slice %arg6[%arg1, %run_scoped3A_374, %dma_wait3A_420, %dma_wait3A_421] : memref<16x2x224x224xf32, #tpu.memory_space<vmem_shared>> -> memref<1x1x224x224xf32, #tpu.memory_space<vmem_shared>>
        %dma_wait3A_423 = tpu.memref_squeeze %dma_wait3A_422 : memref<1x1x224x224xf32, #tpu.memory_space<vmem_shared>> -> memref<224x224xf32, #tpu.memory_space<vmem_shared>>
        tpu.wait_dma2 semaphore(%run_scoped3A_407 : memref<!tpu.dma_semaphore, #tpu.memory_space<semaphore_mem>>) src(%dma_wait3A_423 : memref<224x224xf32, #tpu.memory_space<vmem_shared>>) dst(%dma_wait3A_419 : memref<224x224xf32, #tpu.memory_space<hbm>>)
        tpu.yield
      }) : () -> ()
      %slice3A_375 = vector.extract_strided_slice %get3A_43 {offsets = [0], sizes = [1], strides = [1]} : vector<16xi32> to vector<1xi32>
      %squeeze3A_376 = vector.extract %slice3A_375[0] : i32 from vector<1xi32>
      %add3A_377 = arith.constant 2 : i32
      %add3A_378 = arith.addi %add3A_362, %add3A_377 : i32
      %lt3A_379 = arith.constant 48 : i32
      %lt3A_380 = arith.cmpi slt, %add3A_378, %lt3A_379 : i32
      %convert_element_type3A_381 = arith.extui %lt3A_380 : i1 to i32
      %cond3A_382 = arith.constant 0 : i32
      %cond3A_383 = arith.cmpi ne, %convert_element_type3A_381, %cond3A_382 : i32
      scf.if %cond3A_383 {
        %dma_start3A_407 = arith.constant 0 : i32
        %dma_start3A_408 = arith.constant 0 : i32
        %dma_start3A_409 = arith.constant 0 : i32
        %dma_start3A_410 = tpu.memref_slice %arg6[%arg1, %dma_start3A_407, %dma_start3A_408, %dma_start3A_409] : memref<16x2x224x224xf32, #tpu.memory_space<vmem_shared>> -> memref<1x1x224x224xf32, #tpu.memory_space<vmem_shared>>
        %dma_start3A_411 = tpu.memref_squeeze %dma_start3A_410 : memref<1x1x224x224xf32, #tpu.memory_space<vmem_shared>> -> memref<224x224xf32, #tpu.memory_space<vmem_shared>>
        %dma_start3A_412 = arith.constant 0 : i32
        %dma_start3A_413 = arith.constant 0 : i32
        %dma_start3A_414 = tpu.memref_slice %arg2[%squeeze3A_376, %dma_start3A_412, %dma_start3A_413] : memref<1536x224x224xf32, #tpu.memory_space<hbm>> -> memref<1x224x224xf32, #tpu.memory_space<hbm>>
        %dma_start3A_415 = tpu.memref_squeeze %dma_start3A_414 : memref<1x224x224xf32, #tpu.memory_space<hbm>> -> memref<224x224xf32, #tpu.memory_space<hbm>>
        tpu.enqueue_dma source(%dma_start3A_415 : memref<224x224xf32, #tpu.memory_space<hbm>>) target(%dma_start3A_411 : memref<224x224xf32, #tpu.memory_space<vmem_shared>>) target_semaphore(%arg7 : memref<!tpu.dma_semaphore, #tpu.memory_space<semaphore_mem>>)
      } else {
      }
      %add3A_384 = arith.constant 15 : i32
      %add3A_385 = arith.addi %mul3A_34, %add3A_384 : i32
      %dma_wait3A_386 = arith.constant 0 : i32
      %dma_wait3A_387 = arith.constant 1 : i32
      %dma_wait3A_388 = arith.constant 0 : i32
      %dma_wait3A_389 = arith.constant 0 : i32
      %dma_wait3A_390 = tpu.memref_slice %arg6[%arg1, %dma_wait3A_387, %dma_wait3A_388, %dma_wait3A_389] : memref<16x2x224x224xf32, #tpu.memory_space<vmem_shared>> -> memref<1x1x224x224xf32, #tpu.memory_space<vmem_shared>>
      %dma_wait3A_391 = tpu.memref_squeeze %dma_wait3A_390 : memref<1x1x224x224xf32, #tpu.memory_space<vmem_shared>> -> memref<224x224xf32, #tpu.memory_space<vmem_shared>>
      %dma_wait3A_392 = arith.constant 0 : i32
      %dma_wait3A_393 = arith.constant 0 : i32
      %dma_wait3A_394 = tpu.memref_slice %arg2[%dma_wait3A_386, %dma_wait3A_392, %dma_wait3A_393] : memref<1536x224x224xf32, #tpu.memory_space<hbm>> -> memref<1x224x224xf32, #tpu.memory_space<hbm>>
      %dma_wait3A_395 = tpu.memref_squeeze %dma_wait3A_394 : memref<1x224x224xf32, #tpu.memory_space<hbm>> -> memref<224x224xf32, #tpu.memory_space<hbm>>
      tpu.wait_dma2 semaphore(%arg8 : memref<!tpu.dma_semaphore, #tpu.memory_space<semaphore_mem>>) src(%dma_wait3A_395 : memref<224x224xf32, #tpu.memory_space<hbm>>) dst(%dma_wait3A_391 : memref<224x224xf32, #tpu.memory_space<vmem_shared>>)
      %add3A_396 = arith.addi %mul3A_2, %add3A_385 : i32
      %run_scoped3A_397 = arith.constant 1 : i32
      "tpu.region"() ({
        %run_scoped3A_407 = tpu.sem_alloc : memref<!tpu.dma_semaphore, #tpu.memory_space<semaphore_mem>>
        %dma_start3A_408 = arith.constant 0 : i32
        %dma_start3A_409 = arith.constant 0 : i32
        %dma_start3A_410 = tpu.memref_slice %arg4[%add3A_396, %dma_start3A_408, %dma_start3A_409] : memref<1536x224x224xf32, #tpu.memory_space<hbm>> -> memref<1x224x224xf32, #tpu.memory_space<hbm>>
        %dma_start3A_411 = tpu.memref_squeeze %dma_start3A_410 : memref<1x224x224xf32, #tpu.memory_space<hbm>> -> memref<224x224xf32, #tpu.memory_space<hbm>>
        %dma_start3A_412 = arith.constant 0 : i32
        %dma_start3A_413 = arith.constant 0 : i32
        %dma_start3A_414 = tpu.memref_slice %arg6[%arg1, %run_scoped3A_397, %dma_start3A_412, %dma_start3A_413] : memref<16x2x224x224xf32, #tpu.memory_space<vmem_shared>> -> memref<1x1x224x224xf32, #tpu.memory_space<vmem_shared>>
        %dma_start3A_415 = tpu.memref_squeeze %dma_start3A_414 : memref<1x1x224x224xf32, #tpu.memory_space<vmem_shared>> -> memref<224x224xf32, #tpu.memory_space<vmem_shared>>
        tpu.enqueue_dma source(%dma_start3A_415 : memref<224x224xf32, #tpu.memory_space<vmem_shared>>) target(%dma_start3A_411 : memref<224x224xf32, #tpu.memory_space<hbm>>) target_semaphore(%run_scoped3A_407 : memref<!tpu.dma_semaphore, #tpu.memory_space<semaphore_mem>>)
        %dma_wait3A_416 = arith.constant 0 : i32
        %dma_wait3A_417 = arith.constant 0 : i32
        %dma_wait3A_418 = tpu.memref_slice %arg4[%add3A_396, %dma_wait3A_416, %dma_wait3A_417] : memref<1536x224x224xf32, #tpu.memory_space<hbm>> -> memref<1x224x224xf32, #tpu.memory_space<hbm>>
        %dma_wait3A_419 = tpu.memref_squeeze %dma_wait3A_418 : memref<1x224x224xf32, #tpu.memory_space<hbm>> -> memref<224x224xf32, #tpu.memory_space<hbm>>
        %dma_wait3A_420 = arith.constant 0 : i32
        %dma_wait3A_421 = arith.constant 0 : i32
        %dma_wait3A_422 = tpu.memref_slice %arg6[%arg1, %run_scoped3A_397, %dma_wait3A_420, %dma_wait3A_421] : memref<16x2x224x224xf32, #tpu.memory_space<vmem_shared>> -> memref<1x1x224x224xf32, #tpu.memory_space<vmem_shared>>
        %dma_wait3A_423 = tpu.memref_squeeze %dma_wait3A_422 : memref<1x1x224x224xf32, #tpu.memory_space<vmem_shared>> -> memref<224x224xf32, #tpu.memory_space<vmem_shared>>
        tpu.wait_dma2 semaphore(%run_scoped3A_407 : memref<!tpu.dma_semaphore, #tpu.memory_space<semaphore_mem>>) src(%dma_wait3A_423 : memref<224x224xf32, #tpu.memory_space<vmem_shared>>) dst(%dma_wait3A_419 : memref<224x224xf32, #tpu.memory_space<hbm>>)
        tpu.yield
      }) : () -> ()
      %slice3A_398 = vector.extract_strided_slice %get3A_43 {offsets = [1], sizes = [1], strides = [1]} : vector<16xi32> to vector<1xi32>
      %squeeze3A_399 = vector.extract %slice3A_398[0] : i32 from vector<1xi32>
      %add3A_400 = arith.constant 2 : i32
      %add3A_401 = arith.addi %add3A_385, %add3A_400 : i32
      %lt3A_402 = arith.constant 48 : i32
      %lt3A_403 = arith.cmpi slt, %add3A_401, %lt3A_402 : i32
      %convert_element_type3A_404 = arith.extui %lt3A_403 : i1 to i32
      %cond3A_405 = arith.constant 0 : i32
      %cond3A_406 = arith.cmpi ne, %convert_element_type3A_404, %cond3A_405 : i32
      scf.if %cond3A_406 {
        %dma_start3A_407 = arith.constant 1 : i32
        %dma_start3A_408 = arith.constant 0 : i32
        %dma_start3A_409 = arith.constant 0 : i32
        %dma_start3A_410 = tpu.memref_slice %arg6[%arg1, %dma_start3A_407, %dma_start3A_408, %dma_start3A_409] : memref<16x2x224x224xf32, #tpu.memory_space<vmem_shared>> -> memref<1x1x224x224xf32, #tpu.memory_space<vmem_shared>>
        %dma_start3A_411 = tpu.memref_squeeze %dma_start3A_410 : memref<1x1x224x224xf32, #tpu.memory_space<vmem_shared>> -> memref<224x224xf32, #tpu.memory_space<vmem_shared>>
        %dma_start3A_412 = arith.constant 0 : i32
        %dma_start3A_413 = arith.constant 0 : i32
        %dma_start3A_414 = tpu.memref_slice %arg2[%squeeze3A_399, %dma_start3A_412, %dma_start3A_413] : memref<1536x224x224xf32, #tpu.memory_space<hbm>> -> memref<1x224x224xf32, #tpu.memory_space<hbm>>
        %dma_start3A_415 = tpu.memref_squeeze %dma_start3A_414 : memref<1x224x224xf32, #tpu.memory_space<hbm>> -> memref<224x224xf32, #tpu.memory_space<hbm>>
        tpu.enqueue_dma source(%dma_start3A_415 : memref<224x224xf32, #tpu.memory_space<hbm>>) target(%dma_start3A_411 : memref<224x224xf32, #tpu.memory_space<vmem_shared>>) target_semaphore(%arg8 : memref<!tpu.dma_semaphore, #tpu.memory_space<semaphore_mem>>)
      } else {
      }
    }
    %scan3A_27 = arith.constant 3 : i32
    return
  }
}

</mosaic_0001>

<sc_bundles>
// kernel: kernel.3.cloned.1.call-start
scs
__scs_entry_jumppad:
0x0: {  	(pc) =	sbr.rel $0x88, $3  }
0x1: {  	(tag) =	ssettag $0x0;
	lr =	simm.s32 $0x1  }
0x2: {  	[smem:$0x3F9F] =	sst lr;
	_ =	strace $0xD0000000  }
0x3: {  	_ = 	snop  }
0x4: {  	_ = 	snop  }
0x5: {  	_ = 	snop  }
0x6: {  	_ = 	snop  }
0x7: {  	_ = 	snop  }
__scs_overlays_trampoline_lowered:
0x8: {  	[smem:$0x3FAE] =	sst s0  }
0x9: {  	[smem:$0x3FAF] =	sst s1  }
0xa: {  	[smem:$0x3FB0] =	sst s2  }
0xb: {  	[smem:$0x3FB1] =	sst s3  }
0xc: {  	[smem:$0x3FB2] =	sst s4  }
0xd: {  	[smem:$0x3FB3] =	sst s5  }
0xe: {  	[smem:$0x3FB4] =	sst s6  }
0xf: {  	[smem:$0x3FB5] =	sst s7  }
0x10: {  	[smem:$0x3FB6] =	sst s8  }
0x11: {  	[smem:$0x3FB7] =	sst s9;
	s0 =	simm.s32 @!p0 $0x0  }
0x12: {  	s1 =	sld [smem:$0x3F9D];
	s0 =	simm.s32 @p0 $0x1  }
0x13: {  	[smem:$0x3FB8] =	sst s0;
	s0 =	simm.s32 @!p1 $0x0  }
0x14: {  	s2 =	sld [smem:$0x3F9C];
	s0 =	simm.s32 @p1 $0x1  }
0x15: {  	[smem:$0x3FB9] =	sst s0;
	s0 =	simm.s32 @!p2 $0x0  }
0x16: {  	s3 =	sld [smem:$0x3FDB];
	s0 =	simm.s32 @p2 $0x1  }
0x17: {  	s4 =	simm.s32 $0x1BF5;
	[smem:$0x3FBB] =	sst s0  }
0x18: {  	s0 =	sld [smem:$0x3F9E];
	_ =	swait.ge [sflag:s4], $0x0  }
0x19: {  	s7 =	sld [smem:$0x3F9F]  }
0x1a: {  	s8 =	sadd.s32 $0xFFFFE003, lr  }
0x1b: {  	s9 =	sadd.s32 $0xFFFFFEF7, lr;
	s5 =	simm.s32 $0xFFFFFFFF;
	p2 =	slt.u32 s8, $0xFFFFF086  }
0x1c: {  	p1 =	slt.u32 s9, $0xF7A;
	s5 =	simm.s32 @!p2 $0x0  }
0x1d: {  	s5 =	simm.s32 @p1 $0x1;
	p0 =	seq.s32 s7, s2  }
0x1e: {  	s7 =	smul.u32 @!p0 $0xF7A, s2;
	p2 =	seq.s32 @!p0 s5, $0x0  }
0x1f: {  	s9 =	smul.u32 $0xF7A, s1;
	s8 =	simm.s32 @!p0 $0x1BF5;
	p2 =	por !p2, p0  }
0x20: {  	[sflag:s8] =	ssyncset.s32 @!p0 $0xFFFFF086;
	s6 =	sadd.s32 @!p0 s3, s7;
	s7 =	simm.s32 @!p0 $0x108  }
0x21: {  	s3 =	sadd.s32 s3, s9;
	s6 =	sadd.s32 @!p0 $0x88, s6;
	s7 =	simm.s32 @p2 $0x1082  }
0x22: {  	[simem:s7], [sflag:s8] =	dma.local @!p0 [hbm:s6], $0xF7A  }
0x23: {  	s9 =	sor.u32 $0xD0000000, s2;
	s6 =	simm.s32 $0x108;
	_ =	swait.ge @!p0 [sflag:s8], $0x0  }
0x24: {  	s3 =	sadd.s32 $0x88, s3;
	s6 =	simm.s32 @!p1 $0x1082;
	[sflag:s4] =	ssyncset.s32 $0xFFFFF086  }
0x25: {  	[simem:s6], [sflag:s4] =	dma.local [hbm:s3], $0xF7A  }
0x26: {  	[smem:$0x3F9F] =	sst s1;
	(tag) =	ssettag s2;
	_ =	strace s9  }
0x27: {  	s1 =	sld [smem:$0x3FAF]  }
0x28: {  	s2 =	sld [smem:$0x3FB0]  }
0x29: {  	s4 =	sld [smem:$0x3FB2]  }
0x2a: {  	p0 =	seq.s32 s5, $0x0;
	s5 =	sld [smem:$0x3FB3]  }
0x2b: {  	s6 =	sld [smem:$0x3FB4]  }
0x2c: {  	s7 =	sld [smem:$0x3FB5]  }
0x2d: {  	s3 =	simm.s32 $0x108;
	s8 =	sld [smem:$0x3FB6]  }
0x2e: {  	s3 =	simm.s32 @!p0 $0x1082;
	s9 =	sld [smem:$0x3FB7]  }
0x2f: {  	lr =	sadd.s32 s0, s3;
	s0 =	sld [smem:$0x3FAE]  }
0x30: {  	s3 =	sld [smem:$0x3FB1]  }
0x31: {  	[smem:$0x3FBA] =	sst s10  }
0x32: {  	s10 =	sld [smem:$0x3FB8];
	_ =	sdelay $0x3  }
0x33: {  	p0 =	seq.s32 s10, $0x1;
	s10 =	sld [smem:$0x3FBA];
	_ =	sdelay $0x3  }
0x34: {  	[smem:$0x3FBA] =	sst s10  }
0x35: {  	s10 =	sld [smem:$0x3FB9];
	_ =	sdelay $0x3  }
0x36: {  	p1 =	seq.s32 s10, $0x1;
	s10 =	sld [smem:$0x3FBA];
	_ =	sdelay $0x3  }
0x37: {  	[smem:$0x3FBA] =	sst s10  }
0x38: {  	s10 =	sld [smem:$0x3FBB]  }
0x39: {  	_ = 	snop;
	(pc) =	sbr.ind lr, $3  }
0x3a: {  	_ = 	snop  }
0x3b: {  	_ = 	snop  }
0x3c: {  	p2 =	seq.s32 s10, $0x1;
	s10 =	sld [smem:$0x3FBA]  }
0x3d: {  	_ =	shalt  }
0x3e: {  	_ =	shalt  }
0x3f: {  	_ =	shalt  }
0x40: {  	_ =	shalt  }
0x41: {  	_ =	shalt  }
0x42: {  	_ =	shalt  }
0x43: {  	_ =	shalt  }
0x44: {  	_ =	shalt  }
0x45: {  	_ =	shalt  }
0x46: {  	_ =	shalt  }
0x47: {  	_ =	shalt  }
0x48: {  	_ =	shalt  }
0x49: {  	_ =	shalt  }
0x4a: {  	_ =	shalt  }
0x4b: {  	_ =	shalt  }
0x4c: {  	_ =	shalt  }
0x4d: {  	_ =	shalt  }
0x4e: {  	_ =	shalt  }
0x4f: {  	_ =	shalt  }
0x50: {  	_ =	shalt  }
0x51: {  	_ =	shalt  }
0x52: {  	_ =	shalt  }
0x53: {  	_ =	shalt  }
0x54: {  	_ =	shalt  }
0x55: {  	_ =	shalt  }
0x56: {  	_ =	shalt  }
0x57: {  	_ =	shalt  }
0x58: {  	_ =	shalt  }
0x59: {  	_ =	shalt  }
0x5a: {  	_ =	shalt  }
0x5b: {  	_ =	shalt  }
0x5c: {  	_ =	shalt  }
0x5d: {  	_ =	shalt  }
0x5e: {  	_ =	shalt  }
0x5f: {  	_ =	shalt  }
0x60: {  	_ =	shalt  }
0x61: {  	_ =	shalt  }
0x62: {  	_ =	shalt  }
0x63: {  	_ =	shalt  }
0x64: {  	_ =	shalt  }
0x65: {  	_ =	shalt  }
0x66: {  	_ =	shalt  }
0x67: {  	_ =	shalt  }
0x68: {  	_ =	shalt  }
0x69: {  	_ =	shalt  }
0x6a: {  	_ =	shalt  }
0x6b: {  	_ =	shalt  }
0x6c: {  	_ =	shalt  }
0x6d: {  	_ =	shalt  }
0x6e: {  	_ =	shalt  }
0x6f: {  	_ =	shalt  }
0x70: {  	_ =	shalt  }
0x71: {  	_ =	shalt  }
0x72: {  	_ =	shalt  }
0x73: {  	_ =	shalt  }
0x74: {  	_ =	shalt  }
0x75: {  	_ =	shalt  }
0x76: {  	_ =	shalt  }
0x77: {  	_ =	shalt  }
0x78: {  	_ =	shalt  }
0x79: {  	_ =	shalt  }
0x7a: {  	_ =	shalt  }
0x7b: {  	_ =	shalt  }
0x7c: {  	_ =	shalt  }
0x7d: {  	_ =	shalt  }
0x7e: {  	_ =	shalt  }
0x7f: {  	_ =	shalt  }
0x80: {  	_ =	shalt  }
0x81: {  	_ =	shalt  }
0x82: {  	_ =	shalt  }
0x83: {  	_ =	shalt  }
0x84: {  	_ =	shalt  }
0x85: {  	_ =	shalt  }
0x86: {  	_ =	shalt  }
0x87: {  	_ =	shalt  }
.Lfunc_end0:
.L_simem_size_0:
called_computation_lowered:
.L_overlay_start_0:
0x88: {  	s2 =	sld [smem:$0x3FD9]  }
0x89: {  	s3 =	sld [smem:$0x3FFE];
	_ =	sdelay $0x1  }
0x8a: {  	s1 =	srdreg.scid  }
0x8b: {  	s0 =	sand.u32 $0x1, s1  }
0x8c: {  	s17 =	sshll.u32 s0, $0xA;
	s2 =	sadd.s32 s3, s2  }
0x8d: {  	s2 =	sadd.s32 s2, s17  }
0x8e: {  	[smem:$0x3FC6] =	sst s2  }
0x8f: {  	_ = 	snop  }
0x90: {  	s2 =	sld [smem:$0x3FC9]  }
0x91: {  	s18 =	sld [smem:$0x3FD0];
	(tm) =	ssettm $0x1  }
0x92: {  	s4 =	sld [smem:$0x3FFB];
	_ =	sdelay $0x3  }
0x93: {  	_ =	strace s4  }
0x94: {  	s4 =	sld [smem:$0x3FFC];
	_ =	sdelay $0x3  }
0x95: {  	_ =	strace s4  }
0x96: {  	s4 =	sld [smem:$0x3FFD];
	_ =	sdelay $0x3  }
0x97: {  	_ =	strace s4  }
0x98: {  	_ =	strace $0x8FFFFFFF  }
0x99: {  	s19 =	sld [smem:$0x3FDB];
	_ =	sdelay $0x1  }
0x9a: {  	s5 =	simm.s32 $_scs_section_size  }
0x9b: {  	s6 =	simm.s32 $_size__tile_overlayer_lowered;
	s7 =	simm.s32 $_tile_overlayer_lowered  }
0x9c: {  	s22 =	simm.s32 $0x1BFF;
	s21 =	sshll.u32 s7, $0x1;
	s4 =	sadd.s32 s5, s19  }
0x9d: {  	s8 =	simm.s32 $0x0;
	s20 =	sshll.u32 s6, $0x1;
	s6 =	sadd.s32 s21, s4  }
0x9e: {  	[timem:s8], [sflag:s22] =	dma.local [hbm:s6], s20  }
0x9f: {  	_ =	swait.ge [sflag:s22], s20  }
0xa0: {  	s5 =	ssub.s32 $0x0, s20;
	[sflag:s22] =	ssyncset.done $0x0  }
0xa1: {  	[sflag:s22] =	ssyncadd.s32 s5;
	_ =	sdelay $0x1  }
0xa2: {  	s23 =	simm.s32 $0x1B8B  }
0xa3: {  	_ =	swait.ge [sflag:s23], $0x1  }
0xa4: {  	[sflag:s23] =	ssyncset.done $0x0  }
0xa5: {  	s25 =	simm.s32 $0x1B8E;
	s24 =	sld [smem:$0x3FFE];
	[sflag:s23] =	ssyncadd.s32 $0xFFFFFFFF  }
0xa6: {  	s26 =	simm.s32 $execute0_lowered;
	[smem:$0x3FD2] =	sst s25  }
0xa7: {  	s6 =	sshll.u32 s26, $0x1;
	_ =	strace $0x80000046;
	[dreg:$0x1] =	wrdreg $0xFFFFFFFF  }
0xa8: {  	s28 =	simm.s32 $_size_execute0_lowered;
	s4 =	sadd.s32 s4, s6;
	[dreg:$0x0] =	wrdreg $0x0  }
0xa9: {  	s6 =	sshll.u32 s28, $0x1;
	[dreg:$0x2] =	wrdreg s4  }
0xaa: {  	[dreg:$0x3] =	wrdreg s6  }
0xab: {  	[dreg:$0x4] =	wrdreg $0xC0  }
0xac: {  	_ =	task [dreg:s8], $0x5FFFF  }
0xad: {  	[dreg:$0x1] =	wrdreg $0xFFFFFFFF  }
0xae: {  	[dreg:$0x0] =	wrdreg $0x60  }
0xaf: {  	[dreg:$0x2] =	wrdreg s2  }
0xb0: {  	[dreg:$0x3] =	wrdreg s24  }
0xb1: {  	[dreg:$0x4] =	wrdreg s18  }
0xb2: {  	[dreg:$0x5] =	wrdreg $0x800  }
0xb3: {  	[dreg:$0x6] =	wrdreg $0x9  }
0xb4: {  	_ =	task.clear_ibuf [dreg:s8], $0x7FFFF;
	_ =	strace $0x90000046  }
0xb5: {  	s29 =	simm.s32 $0x9;
	_ =	strace $0x80000048  }
0xb6: {  	_ =	swait.ge [sflag:s29], $0x1  }
0xb7: {  	[sflag:s29] =	ssyncadd.s32 $0xFFFFFFFF  }
0xb8: {  	_ =	strace $0x90000048  }
0xb9: {  	_ =	sfence  }
0xba: {  	s30 =	sld [smem:$0x0];
	_ =	sdelay $0x2  }
0xbb: {  	s31 =	sshll.u32 s1, $0xD;
	s1 =	sshrl.u32 s1, $0x2  }
0xbc: {  	s3 =	sand.u32 $0x4000, s31;
	s1 =	sadd.s32 s1, s30  }
0xbd: {  	s0 =	sor.u32 s3, s0;
	s1 =	sshll.u32 s1, $0x11  }
0xbe: {  	s0 =	sor.u32 s1, s0  }
0xbf: {  	s0 =	sadd.s32 $0x8F2B, s0  }
0xc0: {  	[sflag:s0] =	ssyncadd.remote.s32 $0x1  }
0xc1: {  	_ =	sfence.sel $0xFFFF  }
0xc2: {  	[dreg:$0x0] =	wrdreg $0xFFFFFFFF;
	(pc) =	sbr.abs _section_cstart, $3  }
0xc3: {  	[dreg:$0x1] =	wrdreg $0xFFFFFFFF  }
0xc4: {  	_ =	task.clear_ibuf [dreg:s8], $0x2FFFF;
	_ =	strace $0x9FFFFFFF  }
0xc5: {  	(tm) =	ssettm $0x7FFFFFFF  }
tec
execute0_lowered:
.L_overlay_start_1:
0x0: {  	(tag) =	ssettag $0x1  }
0x1: {  	s1 =	rddreg [dreg:$0x0]  }
0x2: {  	s4 =	rddreg [dreg:$0x1]  }
0x3: {  	s2 =	srdreg.scid;
	s6 =	rddreg [dreg:$0x2]  }
0x4: {  	s0 =	stileid.u32;
	s7 =	rddreg [dreg:$0x3];
	s3 =	simm.s32 $0x0  }
0x5: {  	s13 =	simm.s32 $0x1;
	s15 =	simm.s32 $0x2;
	s16 =	simm.s32 $0x0  }
0x6: {  	s5 =	sand.u32 $0x1, s2;
	s28 =	sshll.u32 s0, $0x1;
	s9 =	smul.u32 $0x70000, s0  }
0x7: {  	[smem:$0x7FF] =	sst s3;
	s11 =	smul.u32 $0xA8000, s0;
	s14 =	sshll.u32 s0, $0x6  }
0x8: {  	s2 =	sor.u32 s5, s28;
	s29 =	ssub.s32 $0x2, s5;
	s30 =	smul.u32 $0x54000, s5  }
0x9: {  	s8 =	smul.u32 $0x30, s2;
	s2 =	rddreg [dreg:$0x4];
	_ =	strace $0x80000047  }
0xa: {  	s10 =	sshrl.u32 s29, $0x1;
	s9 =	sshrl.u32 s9, $0x2;
	s31 =	sadd.s32 s11, s6  }
.Ltmp0:
0xb: {  	s10 =	ssub.s32 s29, s10;
	s8 =	sshrl.u32 s8, $0x3;
	(pc) =	sbr.rel .LBB2_1-.Ltmp0, $4  }
0xc: {  	s11 =	sor.u32 $0x1C02, s14;
	s6 =	smax.u32 s10, $0x1;
	s8 =	sadd.s32 s8, s4  }
0xd: {  	s4 =	sadd.s32 s9, s7;
	s7 =	sadd.s32 s30, s31;
	s9 =	sor.u32 $0x1C01, s14  }
0xe: {  	s14 =	sor.u32 $0x1C03, s14;
	s5 =	sadd.s32 $0x400, s8;
	s12 =	sadd.s32 $0xE000, s4  }
0xf: {  	s8 =	simm.s32 $0x3;
	s10 =	sshrl.u32 s4, $0x3;
	s12 =	sshrl.u32 s12, $0x3  }
.LBB2_4:
0x10: {  	s16 =	sadd.s32 $0x1, s16  }
0x11: {  	p0 =	sne.s32 s16, s6  }
.Ltmp1:
0x12: {  	_ = 	snop;
	(pc) =	sbr.rel @!p0 .LBB2_5-.Ltmp1, $1  }
0x13: {  	_ =	sdelay $0x3  }
.LBB2_1:
0x14: {  	[tilespmem:s3], [sflag:$0x3] =	stream.linear.gather [hbm4b:s5+s3], $0x30, $0x38;
	[tilespmem:$0x18880] =	vst v63  }
0x15: {  	_ =	swait.ge [sflag:s8], $0x30  }
0x16: {  	[sflag:s8] =	ssyncset.done $0x0  }
0x17: {  	[sflag:s8] =	ssyncadd.s32 $0xFFFFFFD0  }
0x18: {  	v0 =	vld [tilespmem:$0x0];
	_ =	sdelay $0x4  }
0x19: {  	v0 =	vmul.u32 $0xE000, v0;
	_ =	sdelay $0x1  }
0x1a: {  	v0 =	vshrl.u32 v0, $0x3  }
0x1b: {  	v0 =	vadd.s32 s1, v0  }
0x1c: {  	(v2sf) =	vpush v0, $0x0;
	_ =	sdelay $0xe  }
0x1d: {  	s17 =	spop (v2sf)  }
0x1e: {  	[spmem:s10], [sflag:s9] =	dma.local [hbm:s17], $0x1C00  }
0x1f: {  	(v2sf) =	vpush v0, $0x1;
	_ =	sdelay $0xe  }
0x20: {  	s17 =	spop (v2sf)  }
0x21: {  	[spmem:s12], [sflag:s11] =	dma.local [hbm:s17], $0x1C00  }
0x22: {  	s18 =	simm.s32 $0x0;
	s19 =	simm.s32 $0x0;
	s17 =	simm.s32 $0x0  }
.LBB2_2:
0x23: {  	v1 =	vld [tilespmem:s17+$0x0];
	_ =	sdelay $0x2  }
0x24: {  	s20 =	smin.u32 s18, $0x10  }
0x25: {  	v0 =	vld [tilespmem:s20+$0x10];
	_ =	swait.ge [sflag:s13], $0x1C00  }
0x26: {  	[sflag:s13] =	ssyncset.done $0x0;
	v1 =	vmul.u32 $0xE000, v1  }
0x27: {  	s20 =	sadd.s32 s19, s7;
	[sflag:s13] =	ssyncadd.s32 $0xFFFFE400  }
0x28: {  	[hbm:s20], [sflag:s14] =	dma.local [spmem:s10], $0x1C00;
	v1 =	vshrl.u32 v1, $0x3  }
0x29: {  	_ =	swait.ge [sflag:s8], $0x1C00;
	v1 =	vadd.s32 s1, v1  }
0x2a: {  	(v2sf) =	vpush v1, $0x2;
	_ =	sdelay $0xd  }
0x2b: {  	[sflag:s8] =	ssyncset.done $0x0  }
0x2c: {  	[sflag:s8] =	ssyncadd.s32 $0xFFFFE400;
	s21 =	spop (v2sf)  }
0x2d: {  	[spmem:s10], [sflag:s9] =	dma.local [hbm:s21], $0x1C00  }
0x2e: {  	_ =	swait.ge [sflag:s15], $0x1C00  }
0x2f: {  	[sflag:s15] =	ssyncset.done $0x0  }
0x30: {  	s22 =	sadd.s32 $0x1C00, s20;
	[sflag:s15] =	ssyncadd.s32 $0xFFFFE400  }
0x31: {  	[hbm:s22], [sflag:s14] =	dma.local [spmem:s12], $0x1C00  }
0x32: {  	_ =	swait.ge [sflag:s8], $0x1C00  }
0x33: {  	(v2sf) =	vpush v1, $0x3;
	_ =	sdelay $0xd  }
0x34: {  	[sflag:s8] =	ssyncset.done $0x0  }
0x35: {  	[sflag:s8] =	ssyncadd.s32 $0xFFFFE400;
	s23 =	spop (v2sf)  }
0x36: {  	[spmem:s12], [sflag:s11] =	dma.local [hbm:s23], $0x1C00  }
0x37: {  	_ =	swait.ge [sflag:s13], $0x1C00  }
0x38: {  	[sflag:s13] =	ssyncset.done $0x0  }
0x39: {  	s24 =	sadd.s32 $0x3800, s20;
	[sflag:s13] =	ssyncadd.s32 $0xFFFFE400  }
0x3a: {  	[hbm:s24], [sflag:s14] =	dma.local [spmem:s10], $0x1C00  }
0x3b: {  	_ =	swait.ge [sflag:s8], $0x1C00  }
0x3c: {  	(v2sf) =	vpush v1, $0x4;
	_ =	sdelay $0xd  }
0x3d: {  	[sflag:s8] =	ssyncset.done $0x0  }
0x3e: {  	[sflag:s8] =	ssyncadd.s32 $0xFFFFE400;
	s25 =	spop (v2sf)  }
0x3f: {  	[spmem:s10], [sflag:s9] =	dma.local [hbm:s25], $0x1C00  }
0x40: {  	_ =	swait.ge [sflag:s15], $0x1C00  }
0x41: {  	[sflag:s15] =	ssyncset.done $0x0  }
0x42: {  	s26 =	sadd.s32 $0x5400, s20;
	[sflag:s15] =	ssyncadd.s32 $0xFFFFE400  }
0x43: {  	[hbm:s26], [sflag:s14] =	dma.local [spmem:s12], $0x1C00  }
0x44: {  	_ =	swait.ge [sflag:s8], $0x1C00  }
0x45: {  	(v2sf) =	vpush v1, $0x5;
	_ =	sdelay $0xd  }
0x46: {  	[sflag:s8] =	ssyncset.done $0x0  }
0x47: {  	[sflag:s8] =	ssyncadd.s32 $0xFFFFE400;
	s28 =	spop (v2sf)  }
0x48: {  	[spmem:s12], [sflag:s11] =	dma.local [hbm:s28], $0x1C00  }
0x49: {  	_ =	swait.ge [sflag:s13], $0x1C00  }
0x4a: {  	[sflag:s13] =	ssyncset.done $0x0  }
0x4b: {  	s29 =	sadd.s32 $0x7000, s20;
	[sflag:s13] =	ssyncadd.s32 $0xFFFFE400  }
0x4c: {  	[hbm:s29], [sflag:s14] =	dma.local [spmem:s10], $0x1C00  }
0x4d: {  	_ =	swait.ge [sflag:s8], $0x1C00  }
0x4e: {  	(v2sf) =	vpush v1, $0x6;
	_ =	sdelay $0xd  }
0x4f: {  	[sflag:s8] =	ssyncset.done $0x0  }
0x50: {  	[sflag:s8] =	ssyncadd.s32 $0xFFFFE400;
	s30 =	spop (v2sf)  }
0x51: {  	[spmem:s10], [sflag:s9] =	dma.local [hbm:s30], $0x1C00  }
0x52: {  	_ =	swait.ge [sflag:s15], $0x1C00  }
0x53: {  	[sflag:s15] =	ssyncset.done $0x0  }
0x54: {  	s31 =	sadd.s32 $0x8C00, s20;
	[sflag:s15] =	ssyncadd.s32 $0xFFFFE400  }
0x55: {  	[hbm:s31], [sflag:s14] =	dma.local [spmem:s12], $0x1C00  }
0x56: {  	_ =	swait.ge [sflag:s8], $0x1C00  }
0x57: {  	(v2sf) =	vpush v1, $0x7;
	_ =	sdelay $0xd  }
0x58: {  	[sflag:s8] =	ssyncset.done $0x0  }
0x59: {  	[sflag:s8] =	ssyncadd.s32 $0xFFFFE400;
	s22 =	spop (v2sf)  }
0x5a: {  	[spmem:s12], [sflag:s11] =	dma.local [hbm:s22], $0x1C00  }
0x5b: {  	_ =	swait.ge [sflag:s13], $0x1C00  }
0x5c: {  	[sflag:s13] =	ssyncset.done $0x0  }
0x5d: {  	s23 =	sadd.s32 $0xA800, s20;
	[sflag:s13] =	ssyncadd.s32 $0xFFFFE400  }
0x5e: {  	[hbm:s23], [sflag:s14] =	dma.local [spmem:s10], $0x1C00  }
0x5f: {  	_ =	swait.ge [sflag:s8], $0x1C00  }
0x60: {  	(v2sf) =	vpush v1, $0x8;
	_ =	sdelay $0xd  }
0x61: {  	[sflag:s8] =	ssyncset.done $0x0  }
0x62: {  	[sflag:s8] =	ssyncadd.s32 $0xFFFFE400;
	s24 =	spop (v2sf)  }
0x63: {  	[spmem:s10], [sflag:s9] =	dma.local [hbm:s24], $0x1C00  }
0x64: {  	_ =	swait.ge [sflag:s15], $0x1C00  }
0x65: {  	[sflag:s15] =	ssyncset.done $0x0  }
0x66: {  	s25 =	sadd.s32 $0xC400, s20;
	[sflag:s15] =	ssyncadd.s32 $0xFFFFE400  }
0x67: {  	[hbm:s25], [sflag:s14] =	dma.local [spmem:s12], $0x1C00  }
0x68: {  	_ =	swait.ge [sflag:s8], $0x1C00  }
0x69: {  	(v2sf) =	vpush v1, $0x9;
	_ =	sdelay $0xd  }
0x6a: {  	[sflag:s8] =	ssyncset.done $0x0  }
0x6b: {  	[sflag:s8] =	ssyncadd.s32 $0xFFFFE400;
	s26 =	spop (v2sf)  }
0x6c: {  	[spmem:s12], [sflag:s11] =	dma.local [hbm:s26], $0x1C00  }
0x6d: {  	_ =	swait.ge [sflag:s13], $0x1C00  }
0x6e: {  	[sflag:s13] =	ssyncset.done $0x0  }
0x6f: {  	s28 =	sadd.s32 $0xE000, s20;
	[sflag:s13] =	ssyncadd.s32 $0xFFFFE400  }
0x70: {  	[hbm:s28], [sflag:s14] =	dma.local [spmem:s10], $0x1C00  }
0x71: {  	_ =	swait.ge [sflag:s8], $0x1C00  }
0x72: {  	(v2sf) =	vpush v1, $0xA;
	_ =	sdelay $0xd  }
0x73: {  	[sflag:s8] =	ssyncset.done $0x0  }
0x74: {  	[sflag:s8] =	ssyncadd.s32 $0xFFFFE400;
	s29 =	spop (v2sf)  }
0x75: {  	[spmem:s10], [sflag:s9] =	dma.local [hbm:s29], $0x1C00  }
0x76: {  	_ =	swait.ge [sflag:s15], $0x1C00  }
0x77: {  	[sflag:s15] =	ssyncset.done $0x0  }
0x78: {  	s30 =	sadd.s32 $0xFC00, s20;
	[sflag:s15] =	ssyncadd.s32 $0xFFFFE400  }
0x79: {  	[hbm:s30], [sflag:s14] =	dma.local [spmem:s12], $0x1C00  }
0x7a: {  	_ =	swait.ge [sflag:s8], $0x1C00  }
0x7b: {  	(v2sf) =	vpush v1, $0xB;
	_ =	sdelay $0xd  }
0x7c: {  	[sflag:s8] =	ssyncset.done $0x0  }
0x7d: {  	[sflag:s8] =	ssyncadd.s32 $0xFFFFE400;
	s31 =	spop (v2sf)  }
0x7e: {  	[spmem:s12], [sflag:s11] =	dma.local [hbm:s31], $0x1C00  }
0x7f: {  	_ =	swait.ge [sflag:s13], $0x1C00  }
0x80: {  	[sflag:s13] =	ssyncset.done $0x0  }
0x81: {  	s22 =	sadd.s32 $0x11800, s20;
	[sflag:s13] =	ssyncadd.s32 $0xFFFFE400  }
0x82: {  	[hbm:s22], [sflag:s14] =	dma.local [spmem:s10], $0x1C00  }
0x83: {  	_ =	swait.ge [sflag:s8], $0x1C00  }
0x84: {  	(v2sf) =	vpush v1, $0xC;
	_ =	sdelay $0xd  }
0x85: {  	[sflag:s8] =	ssyncset.done $0x0  }
0x86: {  	[sflag:s8] =	ssyncadd.s32 $0xFFFFE400;
	s23 =	spop (v2sf)  }
0x87: {  	[spmem:s10], [sflag:s9] =	dma.local [hbm:s23], $0x1C00  }
0x88: {  	_ =	swait.ge [sflag:s15], $0x1C00  }
0x89: {  	[sflag:s15] =	ssyncset.done $0x0  }
0x8a: {  	s24 =	sadd.s32 $0x13400, s20;
	[sflag:s15] =	ssyncadd.s32 $0xFFFFE400  }
0x8b: {  	[hbm:s24], [sflag:s14] =	dma.local [spmem:s12], $0x1C00  }
0x8c: {  	_ =	swait.ge [sflag:s8], $0x1C00  }
0x8d: {  	(v2sf) =	vpush v1, $0xD;
	_ =	sdelay $0xd  }
0x8e: {  	[sflag:s8] =	ssyncset.done $0x0  }
0x8f: {  	[sflag:s8] =	ssyncadd.s32 $0xFFFFE400;
	s25 =	spop (v2sf)  }
0x90: {  	[spmem:s12], [sflag:s11] =	dma.local [hbm:s25], $0x1C00  }
0x91: {  	_ =	swait.ge [sflag:s13], $0x1C00  }
0x92: {  	[sflag:s13] =	ssyncset.done $0x0  }
0x93: {  	s26 =	sadd.s32 $0x15000, s20;
	[sflag:s13] =	ssyncadd.s32 $0xFFFFE400  }
0x94: {  	[hbm:s26], [sflag:s14] =	dma.local [spmem:s10], $0x1C00  }
0x95: {  	_ =	swait.ge [sflag:s8], $0x1C00  }
0x96: {  	(v2sf) =	vpush v1, $0xE;
	_ =	sdelay $0xd  }
0x97: {  	[sflag:s8] =	ssyncset.done $0x0  }
0x98: {  	[sflag:s8] =	ssyncadd.s32 $0xFFFFE400;
	s28 =	spop (v2sf)  }
0x99: {  	[spmem:s10], [sflag:s9] =	dma.local [hbm:s28], $0x1C00  }
0x9a: {  	_ =	swait.ge [sflag:s15], $0x1C00  }
0x9b: {  	[sflag:s15] =	ssyncset.done $0x0  }
0x9c: {  	s29 =	sadd.s32 $0x16C00, s20;
	[sflag:s15] =	ssyncadd.s32 $0xFFFFE400  }
0x9d: {  	[hbm:s29], [sflag:s14] =	dma.local [spmem:s12], $0x1C00  }
0x9e: {  	_ =	swait.ge [sflag:s8], $0x1C00  }
0x9f: {  	(v2sf) =	vpush v1, $0xF;
	_ =	sdelay $0xd  }
0xa0: {  	[sflag:s8] =	ssyncset.done $0x0  }
0xa1: {  	[sflag:s8] =	ssyncadd.s32 $0xFFFFE400;
	s30 =	spop (v2sf)  }
0xa2: {  	[spmem:s12], [sflag:s11] =	dma.local [hbm:s30], $0x1C00  }
0xa3: {  	_ =	swait.ge [sflag:s13], $0x1C00  }
0xa4: {  	[sflag:s13] =	ssyncset.done $0x0  }
0xa5: {  	s31 =	sadd.s32 $0x18800, s20;
	[sflag:s13] =	ssyncadd.s32 $0xFFFFE400  }
0xa6: {  	[hbm:s31], [sflag:s14] =	dma.local [spmem:s10], $0x1C00  }
0xa7: {  	p0 =	seq.s32 s19, $0x38000;
	_ =	swait.ge [sflag:s8], $0x1C00  }
0xa8: {  	(v2sf) =	vpush @!p0 v0, $0x0;
	_ =	sdelay $0xe  }
0xa9: {  	s21 =	spop @!p0 (v2sf)  }
0xaa: {  	s21 =	smul.u32 @!p0 $0xE000, s21;
	_ =	sdelay $0x1  }
0xab: {  	[sflag:s8] =	ssyncset.done $0x0;
	s21 =	sshrl.u32 @!p0 s21, $0x3  }
0xac: {  	s22 =	sshrl.u32 @!p0 s4, $0x3;
	[sflag:s8] =	ssyncadd.s32 $0xFFFFE400;
	s21 =	sadd.s32 @!p0 s1, s21  }
0xad: {  	[spmem:s22], [sflag:s9] =	dma.local @!p0 [hbm:s21], $0x1C00  }
0xae: {  	_ =	swait.ge [sflag:s15], $0x1C00  }
0xaf: {  	[sflag:s15] =	ssyncset.done $0x0  }
.Ltmp2:
0xb0: {  	s20 =	sadd.s32 $0x1A400, s20;
	[sflag:s15] =	ssyncadd.s32 $0xFFFFE400;
	(pc) =	sbr.rel @p0 .LBB2_4-.Ltmp2, $4  }
0xb1: {  	[hbm:s20], [sflag:s14] =	dma.local [spmem:s12], $0x1C00  }
0xb2: {  	_ =	swait.ge [sflag:s8], $0x1C00  }
0xb3: {  	[sflag:s8] =	ssyncset.done $0x0  }
0xb4: {  	[sflag:s8] =	ssyncadd.s32 $0xFFFFE400  }
0xb5: {  	(v2sf) =	vpush v0, $0x1;
	_ =	sdelay $0xe  }
0xb6: {  	s20 =	spop (v2sf)  }
0xb7: {  	s20 =	smul.u32 $0xE000, s20  }
.Ltmp3:
0xb8: {  	_ = 	snop;
	(pc) =	sbr.rel .LBB2_2-.Ltmp3, $4  }
0xb9: {  	_ = 	snop  }
0xba: {  	s19 =	sadd.s32 $0x1C000, s19;
	s20 =	sshrl.u32 s20, $0x3  }
0xbb: {  	s18 =	sadd.s32 $0x10, s18;
	s17 =	sadd.s32 $0x10, s17;
	s20 =	sadd.s32 s1, s20  }
0xbc: {  	[spmem:s12], [sflag:s11] =	dma.local [hbm:s20], $0x1C00  }
.LBB2_5:
0xbd: {  	_ =	sfence.sel $0x180000  }
0xbe: {  	[bflag:$0x0] =	sbarrier.arrive $0xFFFF  }
0xbf: {  	p0 =	sne.s32 s0, $0x0;
	_ =	strace $0x90000047  }
0xc0: {  	s0 =	sadd.s32 @!p0 $0x100000, s2;
	[bflag:$0x2] =	sbarrier.arrive $0xFFFF  }
0xc1: {  	[sflag:s0] =	ssyncadd.tile.s32 @!p0 $0x1;
	_ =	shalt  }
.Lfunc_end2:
_tile_overlayer_lowered:
.L_overlay_start_2:
0xc2: {  	(tag) =	ssettag $0x2  }
0xc3: {  	s0 =	rddreg [dreg:$0x0];
	s2 =	stileid.u32  }
0xc4: {  	s1 =	rddreg [dreg:$0x1];
	p0 =	sne.s32 s2, $0x0  }
0xc5: {  	s3 =	rddreg [dreg:$0x2];
	[bflag:$0x3] =	sbarrier.arrive $0xFFFF;
	s2 =	simm.s32 @!p0 $0x1C03  }
0xc6: {  	[timem:s3], [sflag:s2] =	dma.local @!p0 [hbm:s0], s1  }
0xc7: {  	s0 =	simm.s32 @!p0 $0x3  }
0xc8: {  	_ =	swait.ge @!p0 [sflag:s0], s1  }
0xc9: {  	s1 =	ssub.s32 @!p0 $0x0, s1;
	[sflag:s0] =	ssyncset.done @!p0 $0x0  }
0xca: {  	[sflag:s0] =	ssyncadd.s32 @!p0 s1  }
0xcb: {  	[bflag:$0x3] =	sbarrier.arrive $0xFFFF  }
0xcc: {  	_ =	shalt  }

</sc_bundles>
